<compile_context>
chip_gen: v7x
topology: tpu7x:2x2x1
jax: 0.10.2.dev20260603
libtpu: 0.0.44.dev20260713+nightly
codegen_flags: <defaults>
</compile_context>

<pallas_src>
import functools

import jax
import jax.numpy as jnp
from jax import lax
from jax.experimental import pallas as pl
from jax.experimental.pallas import tpu as pltpu
from jax.experimental.pallas import tpu_sc as plsc

_B = 128
_S = 8192
_N = _B * _S
_NW = 32

_K_TC = 112
_N_TC = _K_TC * _S
_N_SC = _N - _N_TC
_PER_W = _N_SC // _NW
_NCHUNK = 2
_C = _PER_W // _NCHUNK

_LANES = 128
_ROWS = _N // _LANES
_ROWS_TC = _N_TC // _LANES
_TC_GRID = 8
_TC_BLOCK = _ROWS // _TC_GRID

_C0 = 2.88538788
_C1 = 0.9620558
_C2 = 0.56891856
_C3 = 0.5052695


def _neg_log2(x, inv, den_other):
    bits = lax.bitcast_convert_type(x, jnp.int32)
    ke = 127 - lax.shift_right_logical(bits, 23)
    m_bits = lax.bitwise_or(lax.bitwise_and(bits, 0x007FFFFF), 0x3F800000)
    m = lax.bitcast_convert_type(m_bits, jnp.float32)
    s = (m - 1.0) * (den_other * inv)
    z = s * s
    p = _C0 + z * (_C1 + z * (_C2 + z * _C3))
    return ke.astype(jnp.float32) - s * p


def _mant_p1(x):
    bits = lax.bitcast_convert_type(x, jnp.int32)
    m_bits = lax.bitwise_or(lax.bitwise_and(bits, 0x007FFFFF), 0x3F800000)
    return lax.bitcast_convert_type(m_bits, jnp.float32) + 1.0


def _sample(l, a, b):
    den_a = _mant_p1(a)
    den_b = _mant_p1(b)
    inv = 1.0 / (den_a * den_b)
    ka = _neg_log2(a, inv, den_b)
    kb = _neg_log2(b, inv, den_a)
    t = jnp.exp(2.0 - 4.0 * l)
    bb = kb * kb
    return bb / (ka * ka * t + bb)


def _sc_body(l_hbm, ua_hbm, ub_hbm, out_hbm,
             lv, av, bv, ov, isem0, isem1, osem0, osem1):
    wid = lax.axis_index("s") * 2 + lax.axis_index("c")
    base = _N_TC + wid * _PER_W
    isems = (isem0, isem1)
    osems = (osem0, osem1)

    def start_in(c):
        p = c % 2
        off = base + c * _C
        return [
            pltpu.async_copy(l_hbm.at[pl.ds(off, _C)], lv.at[p], isems[p]),
            pltpu.async_copy(ua_hbm.at[pl.ds(off, _C)], av.at[p], isems[p]),
            pltpu.async_copy(ub_hbm.at[pl.ds(off, _C)], bv.at[p], isems[p]),
        ]

    in_h = {0: start_in(0)}
    out_h = {}
    for c in range(_NCHUNK):
        p = c % 2
        if c + 1 < _NCHUNK:
            in_h[c + 1] = start_in(c + 1)
        for h in in_h.pop(c):
            h.wait()
        if c - 2 in out_h:
            out_h.pop(c - 2).wait()

        @plsc.parallel_loop(0, _C, step=16, unroll=4)
        def body(i):
            ix = pl.ds(i, 16)
            ov[p, ix] = _sample(lv[p, ix], av[p, ix], bv[p, ix])

        out_h[c] = pltpu.async_copy(
            ov.at[p], out_hbm.at[pl.ds(base - _N_TC + c * _C, _C)], osems[p]
        )
    for c in sorted(out_h):
        out_h.pop(c).wait()


@functools.cache
def _sc_call():
    return pl.kernel(
        _sc_body,
        out_type=jax.ShapeDtypeStruct((_N_SC,), jnp.float32),
        mesh=plsc.VectorSubcoreMesh(core_axis_name="c", subcore_axis_name="s"),
        scratch_types=[
            pltpu.VMEM((2, _C), jnp.float32),
            pltpu.VMEM((2, _C), jnp.float32),
            pltpu.VMEM((2, _C), jnp.float32),
            pltpu.VMEM((2, _C), jnp.float32),
            pltpu.SemaphoreType.DMA,
            pltpu.SemaphoreType.DMA,
            pltpu.SemaphoreType.DMA,
            pltpu.SemaphoreType.DMA,
        ],
    )


def _tc_body(l_ref, a_ref, b_ref, o_ref):
    @pl.when(pl.program_id(0) * _TC_BLOCK < _ROWS_TC)
    def _():
        l = l_ref[...]
        la = -jnp.log(a_ref[...])
        lb = -jnp.log(b_ref[...])
        t = jnp.exp(2.0 - 4.0 * l)
        bb = lb * lb
        o_ref[...] = bb / (la * la * t + bb)


_N_BLK_TC = _ROWS_TC // _TC_BLOCK


@functools.cache
def _tc_call():
    in_spec = pl.BlockSpec(
        (_TC_BLOCK, _LANES), lambda i: (jnp.minimum(i, _N_BLK_TC - 1), 0)
    )
    out_spec = pl.BlockSpec((_TC_BLOCK, _LANES), lambda i: (i, 0))
    return pl.pallas_call(
        _tc_body,
        grid=(_TC_GRID,),
        in_specs=[in_spec, in_spec, in_spec],
        out_specs=out_spec,
        out_shape=jax.ShapeDtypeStruct((_ROWS, _LANES), jnp.float32),
    )


@jax.jit
def kernel(logits, uniform_a, uniform_b):
    l = logits.reshape(_N)
    ua = uniform_a.reshape(_N)
    ub = uniform_b.reshape(_N)
    l2 = l.reshape(_ROWS, _LANES)
    ua2 = ua.reshape(_ROWS, _LANES)
    ub2 = ub.reshape(_ROWS, _LANES)
    sc_out = _sc_call()(l, ua, ub)
    tc_out = _tc_call()(l2, ua2, ub2)
    out = lax.dynamic_update_slice(tc_out.reshape(_N), sc_out, (_N_TC,))
    return out.reshape(_B, _S, 1)

# --- scband reference (transcript-rebuilt; emitter-appended) ---
"""Pipeline reference for scband-sample-concrete-47330539602069 (READ-ONLY COPY).

The authoritative reference and input builder live on the scoring server;
editing this copy changes nothing except your own understanding.
"""

import jax, jax.numpy as jnp
import numpy as np

BATCH = 128
SENTS = 8192
TAU = 0.5
SELECTED_SENTS = 64
TINY = float(np.finfo(np.float32).tiny)


def setup_inputs(seed: int = 0) -> dict:
    key = jax.random.key(seed)
    k1, k2, k3 = jax.random.split(key, 3)
    logits = jax.random.normal(k1, (BATCH, SENTS, 1), dtype=jnp.float32)
    uniform_a = jax.random.uniform(k2, (BATCH, 1, SENTS), minval=TINY, maxval=1.0, dtype=jnp.float32)
    uniform_b = jax.random.uniform(k3, (BATCH, 1, SENTS), minval=TINY, maxval=1.0, dtype=jnp.float32)
    return {"logits": logits, "uniform_a": uniform_a, "uniform_b": uniform_b}


def reference(logits, uniform_a, uniform_b):
    # Training-phase branch of SampleConcrete (binary Gumbel-softmax / concrete relaxation).
    lo_gits_ = jnp.transpose(logits, (0, 2, 1))  # (B, 1, S)
    gumbel_a = -jnp.log(-jnp.log(uniform_a))
    gumbel_b = -jnp.log(-jnp.log(uniform_b))
    no_z_lo_gits = jnp.exp((gumbel_a + lo_gits_) / TAU)
    de_z_lo_gits = no_z_lo_gits + jnp.exp((gumbel_b + (1.0 - lo_gits_)) / TAU)
    samples = no_z_lo_gits / de_z_lo_gits
    return jnp.transpose(samples, (0, 2, 1))  # (B, S, 1)

if __name__ == "__main__":
    import jax
    _d = setup_inputs()
    print(jax.jit(kernel)(*tuple(_d.values())))

</pallas_src>

<mosaic_0001>
#map = affine_map<(d0, d1) -> (0)>
module attributes {stable_mosaic.version = 14 : i64} {
  func.func @_sc_body(%arg0: i32, %arg1: i32, %arg2: memref<1048576xf32, #tpu.memory_space<hbm>>, %arg3: memref<1048576xf32, #tpu.memory_space<hbm>>, %arg4: memref<1048576xf32, #tpu.memory_space<hbm>>, %arg5: memref<131072xf32, #tpu.memory_space<hbm>>, %arg6: memref<2x2048xf32, #tpu.memory_space<vmem>>, %arg7: memref<2x2048xf32, #tpu.memory_space<vmem>>, %arg8: memref<2x2048xf32, #tpu.memory_space<vmem>>, %arg9: memref<2x2048xf32, #tpu.memory_space<vmem>>, %arg10: memref<!tpu.dma_semaphore, #tpu.memory_space<semaphore_mem>>, %arg11: memref<!tpu.dma_semaphore, #tpu.memory_space<semaphore_mem>>, %arg12: memref<!tpu.dma_semaphore, #tpu.memory_space<semaphore_mem>>, %arg13: memref<!tpu.dma_semaphore, #tpu.memory_space<semaphore_mem>>) attributes {dimension_semantics = [#tpu.dimension_semantics<core_parallel>, #tpu.dimension_semantics<subcore_parallel>], iteration_bounds = array<i64: 2, 16>, scalar_prefetch = 0 : i64, scratch_operands = 8 : i64, tpu.core_type = #tpu.core_type<sc_vector_subcore>, window_params = [{transform_indices = #map}, {transform_indices = #map}, {transform_indices = #map}, {transform_indices = #map}]} {
    %mul3A = arith.constant 2 : i32
    %mul3A_0 = arith.muli %arg1, %mul3A : i32
    %add3A = arith.addi %mul3A_0, %arg0 : i32
    %mul3A_1 = arith.constant 4096 : i32
    %mul3A_2 = arith.muli %add3A, %mul3A_1 : i32
    %add3A_3 = arith.constant 917504 : i32
    %add3A_4 = arith.addi %add3A_3, %mul3A_2 : i32
    %add3A_5 = arith.constant 0 : i32
    %add3A_6 = arith.addi %add3A_4, %add3A_5 : i32
    %dma_start3A = arith.constant 0 : i32
    %dma_start3A_7 = arith.constant 0 : i32
    %dma_start3A_8 = tpu.memref_slice %arg6[%dma_start3A, %dma_start3A_7] : memref<2x2048xf32, #tpu.memory_space<vmem>> -> memref<1x2048xf32, #tpu.memory_space<vmem>>
    %dma_start3A_9 = tpu.memref_squeeze %dma_start3A_8 : memref<1x2048xf32, #tpu.memory_space<vmem>> -> memref<2048xf32, #tpu.memory_space<vmem>>
    %dma_start3A_10 = tpu.memref_slice %arg2[%add3A_6] : memref<1048576xf32, #tpu.memory_space<hbm>> -> memref<2048xf32, #tpu.memory_space<hbm>>
    %dma_start3A_11 = arith.constant 0 : i32
    %dma_start3A_12 = tpu.memref_slice %arg6[%dma_start3A, %dma_start3A_11] : memref<2x2048xf32, #tpu.memory_space<vmem>> -> memref<1x2048xf32, #tpu.memory_space<vmem>>
    %dma_start3A_13 = tpu.memref_squeeze %dma_start3A_12 : memref<1x2048xf32, #tpu.memory_space<vmem>> -> memref<2048xf32, #tpu.memory_space<vmem>>
    %dma_start3A_14 = tpu.memref_slice %arg2[%add3A_6] : memref<1048576xf32, #tpu.memory_space<hbm>> -> memref<2048xf32, #tpu.memory_space<hbm>>
    tpu.enqueue_dma source(%dma_start3A_14 : memref<2048xf32, #tpu.memory_space<hbm>>) target(%dma_start3A_13 : memref<2048xf32, #tpu.memory_space<vmem>>) target_semaphore(%arg10 : memref<!tpu.dma_semaphore, #tpu.memory_space<semaphore_mem>>)
    %dma_start3A_15 = arith.constant 0 : i32
    %dma_start3A_16 = arith.constant 0 : i32
    %dma_start3A_17 = tpu.memref_slice %arg7[%dma_start3A_15, %dma_start3A_16] : memref<2x2048xf32, #tpu.memory_space<vmem>> -> memref<1x2048xf32, #tpu.memory_space<vmem>>
    %dma_start3A_18 = tpu.memref_squeeze %dma_start3A_17 : memref<1x2048xf32, #tpu.memory_space<vmem>> -> memref<2048xf32, #tpu.memory_space<vmem>>
    %dma_start3A_19 = tpu.memref_slice %arg3[%add3A_6] : memref<1048576xf32, #tpu.memory_space<hbm>> -> memref<2048xf32, #tpu.memory_space<hbm>>
    %dma_start3A_20 = arith.constant 0 : i32
    %dma_start3A_21 = tpu.memref_slice %arg7[%dma_start3A_15, %dma_start3A_20] : memref<2x2048xf32, #tpu.memory_space<vmem>> -> memref<1x2048xf32, #tpu.memory_space<vmem>>
    %dma_start3A_22 = tpu.memref_squeeze %dma_start3A_21 : memref<1x2048xf32, #tpu.memory_space<vmem>> -> memref<2048xf32, #tpu.memory_space<vmem>>
    %dma_start3A_23 = tpu.memref_slice %arg3[%add3A_6] : memref<1048576xf32, #tpu.memory_space<hbm>> -> memref<2048xf32, #tpu.memory_space<hbm>>
    tpu.enqueue_dma source(%dma_start3A_23 : memref<2048xf32, #tpu.memory_space<hbm>>) target(%dma_start3A_22 : memref<2048xf32, #tpu.memory_space<vmem>>) target_semaphore(%arg10 : memref<!tpu.dma_semaphore, #tpu.memory_space<semaphore_mem>>)
    %dma_start3A_24 = arith.constant 0 : i32
    %dma_start3A_25 = arith.constant 0 : i32
    %dma_start3A_26 = tpu.memref_slice %arg8[%dma_start3A_24, %dma_start3A_25] : memref<2x2048xf32, #tpu.memory_space<vmem>> -> memref<1x2048xf32, #tpu.memory_space<vmem>>
    %dma_start3A_27 = tpu.memref_squeeze %dma_start3A_26 : memref<1x2048xf32, #tpu.memory_space<vmem>> -> memref<2048xf32, #tpu.memory_space<vmem>>
    %dma_start3A_28 = tpu.memref_slice %arg4[%add3A_6] : memref<1048576xf32, #tpu.memory_space<hbm>> -> memref<2048xf32, #tpu.memory_space<hbm>>
    %dma_start3A_29 = arith.constant 0 : i32
    %dma_start3A_30 = tpu.memref_slice %arg8[%dma_start3A_24, %dma_start3A_29] : memref<2x2048xf32, #tpu.memory_space<vmem>> -> memref<1x2048xf32, #tpu.memory_space<vmem>>
    %dma_start3A_31 = tpu.memref_squeeze %dma_start3A_30 : memref<1x2048xf32, #tpu.memory_space<vmem>> -> memref<2048xf32, #tpu.memory_space<vmem>>
    %dma_start3A_32 = tpu.memref_slice %arg4[%add3A_6] : memref<1048576xf32, #tpu.memory_space<hbm>> -> memref<2048xf32, #tpu.memory_space<hbm>>
    tpu.enqueue_dma source(%dma_start3A_32 : memref<2048xf32, #tpu.memory_space<hbm>>) target(%dma_start3A_31 : memref<2048xf32, #tpu.memory_space<vmem>>) target_semaphore(%arg10 : memref<!tpu.dma_semaphore, #tpu.memory_space<semaphore_mem>>)
    %add3A_33 = arith.constant 2048 : i32
    %add3A_34 = arith.addi %add3A_4, %add3A_33 : i32
    %dma_start3A_35 = arith.constant 1 : i32
    %dma_start3A_36 = arith.constant 0 : i32
    %dma_start3A_37 = tpu.memref_slice %arg6[%dma_start3A_35, %dma_start3A_36] : memref<2x2048xf32, #tpu.memory_space<vmem>> -> memref<1x2048xf32, #tpu.memory_space<vmem>>
    %dma_start3A_38 = tpu.memref_squeeze %dma_start3A_37 : memref<1x2048xf32, #tpu.memory_space<vmem>> -> memref<2048xf32, #tpu.memory_space<vmem>>
    %dma_start3A_39 = tpu.memref_slice %arg2[%add3A_34] : memref<1048576xf32, #tpu.memory_space<hbm>> -> memref<2048xf32, #tpu.memory_space<hbm>>
    %dma_start3A_40 = arith.constant 0 : i32
    %dma_start3A_41 = tpu.memref_slice %arg6[%dma_start3A_35, %dma_start3A_40] : memref<2x2048xf32, #tpu.memory_space<vmem>> -> memref<1x2048xf32, #tpu.memory_space<vmem>>
    %dma_start3A_42 = tpu.memref_squeeze %dma_start3A_41 : memref<1x2048xf32, #tpu.memory_space<vmem>> -> memref<2048xf32, #tpu.memory_space<vmem>>
    %dma_start3A_43 = tpu.memref_slice %arg2[%add3A_34] : memref<1048576xf32, #tpu.memory_space<hbm>> -> memref<2048xf32, #tpu.memory_space<hbm>>
    tpu.enqueue_dma source(%dma_start3A_43 : memref<2048xf32, #tpu.memory_space<hbm>>) target(%dma_start3A_42 : memref<2048xf32, #tpu.memory_space<vmem>>) target_semaphore(%arg11 : memref<!tpu.dma_semaphore, #tpu.memory_space<semaphore_mem>>)
    %dma_start3A_44 = arith.constant 1 : i32
    %dma_start3A_45 = arith.constant 0 : i32
    %dma_start3A_46 = tpu.memref_slice %arg7[%dma_start3A_44, %dma_start3A_45] : memref<2x2048xf32, #tpu.memory_space<vmem>> -> memref<1x2048xf32, #tpu.memory_space<vmem>>
    %dma_start3A_47 = tpu.memref_squeeze %dma_start3A_46 : memref<1x2048xf32, #tpu.memory_space<vmem>> -> memref<2048xf32, #tpu.memory_space<vmem>>
    %dma_start3A_48 = tpu.memref_slice %arg3[%add3A_34] : memref<1048576xf32, #tpu.memory_space<hbm>> -> memref<2048xf32, #tpu.memory_space<hbm>>
    %dma_start3A_49 = arith.constant 0 : i32
    %dma_start3A_50 = tpu.memref_slice %arg7[%dma_start3A_44, %dma_start3A_49] : memref<2x2048xf32, #tpu.memory_space<vmem>> -> memref<1x2048xf32, #tpu.memory_space<vmem>>
    %dma_start3A_51 = tpu.memref_squeeze %dma_start3A_50 : memref<1x2048xf32, #tpu.memory_space<vmem>> -> memref<2048xf32, #tpu.memory_space<vmem>>
    %dma_start3A_52 = tpu.memref_slice %arg3[%add3A_34] : memref<1048576xf32, #tpu.memory_space<hbm>> -> memref<2048xf32, #tpu.memory_space<hbm>>
    tpu.enqueue_dma source(%dma_start3A_52 : memref<2048xf32, #tpu.memory_space<hbm>>) target(%dma_start3A_51 : memref<2048xf32, #tpu.memory_space<vmem>>) target_semaphore(%arg11 : memref<!tpu.dma_semaphore, #tpu.memory_space<semaphore_mem>>)
    %dma_start3A_53 = arith.constant 1 : i32
    %dma_start3A_54 = arith.constant 0 : i32
    %dma_start3A_55 = tpu.memref_slice %arg8[%dma_start3A_53, %dma_start3A_54] : memref<2x2048xf32, #tpu.memory_space<vmem>> -> memref<1x2048xf32, #tpu.memory_space<vmem>>
    %dma_start3A_56 = tpu.memref_squeeze %dma_start3A_55 : memref<1x2048xf32, #tpu.memory_space<vmem>> -> memref<2048xf32, #tpu.memory_space<vmem>>
    %dma_start3A_57 = tpu.memref_slice %arg4[%add3A_34] : memref<1048576xf32, #tpu.memory_space<hbm>> -> memref<2048xf32, #tpu.memory_space<hbm>>
    %dma_start3A_58 = arith.constant 0 : i32
    %dma_start3A_59 = tpu.memref_slice %arg8[%dma_start3A_53, %dma_start3A_58] : memref<2x2048xf32, #tpu.memory_space<vmem>> -> memref<1x2048xf32, #tpu.memory_space<vmem>>
    %dma_start3A_60 = tpu.memref_squeeze %dma_start3A_59 : memref<1x2048xf32, #tpu.memory_space<vmem>> -> memref<2048xf32, #tpu.memory_space<vmem>>
    %dma_start3A_61 = tpu.memref_slice %arg4[%add3A_34] : memref<1048576xf32, #tpu.memory_space<hbm>> -> memref<2048xf32, #tpu.memory_space<hbm>>
    tpu.enqueue_dma source(%dma_start3A_61 : memref<2048xf32, #tpu.memory_space<hbm>>) target(%dma_start3A_60 : memref<2048xf32, #tpu.memory_space<vmem>>) target_semaphore(%arg11 : memref<!tpu.dma_semaphore, #tpu.memory_space<semaphore_mem>>)
    %dma_wait3A = arith.constant 0 : i32
    %dma_wait3A_62 = arith.constant 0 : i32
    %dma_wait3A_63 = tpu.memref_slice %arg6[%dma_wait3A, %dma_wait3A_62] : memref<2x2048xf32, #tpu.memory_space<vmem>> -> memref<1x2048xf32, #tpu.memory_space<vmem>>
    %dma_wait3A_64 = tpu.memref_squeeze %dma_wait3A_63 : memref<1x2048xf32, #tpu.memory_space<vmem>> -> memref<2048xf32, #tpu.memory_space<vmem>>
    %dma_wait3A_65 = tpu.memref_slice %arg2[%add3A_6] : memref<1048576xf32, #tpu.memory_space<hbm>> -> memref<2048xf32, #tpu.memory_space<hbm>>
    %dma_wait3A_66 = arith.constant 0 : i32
    %dma_wait3A_67 = tpu.memref_slice %arg6[%dma_wait3A, %dma_wait3A_66] : memref<2x2048xf32, #tpu.memory_space<vmem>> -> memref<1x2048xf32, #tpu.memory_space<vmem>>
    %dma_wait3A_68 = tpu.memref_squeeze %dma_wait3A_67 : memref<1x2048xf32, #tpu.memory_space<vmem>> -> memref<2048xf32, #tpu.memory_space<vmem>>
    %dma_wait3A_69 = tpu.memref_slice %arg2[%add3A_6] : memref<1048576xf32, #tpu.memory_space<hbm>> -> memref<2048xf32, #tpu.memory_space<hbm>>
    tpu.wait_dma2 semaphore(%arg10 : memref<!tpu.dma_semaphore, #tpu.memory_space<semaphore_mem>>) src(%dma_wait3A_69 : memref<2048xf32, #tpu.memory_space<hbm>>) dst(%dma_wait3A_68 : memref<2048xf32, #tpu.memory_space<vmem>>)
    %dma_wait3A_70 = arith.constant 0 : i32
    %dma_wait3A_71 = arith.constant 0 : i32
    %dma_wait3A_72 = tpu.memref_slice %arg7[%dma_wait3A_70, %dma_wait3A_71] : memref<2x2048xf32, #tpu.memory_space<vmem>> -> memref<1x2048xf32, #tpu.memory_space<vmem>>
    %dma_wait3A_73 = tpu.memref_squeeze %dma_wait3A_72 : memref<1x2048xf32, #tpu.memory_space<vmem>> -> memref<2048xf32, #tpu.memory_space<vmem>>
    %dma_wait3A_74 = tpu.memref_slice %arg3[%add3A_6] : memref<1048576xf32, #tpu.memory_space<hbm>> -> memref<2048xf32, #tpu.memory_space<hbm>>
    %dma_wait3A_75 = arith.constant 0 : i32
    %dma_wait3A_76 = tpu.memref_slice %arg7[%dma_wait3A_70, %dma_wait3A_75] : memref<2x2048xf32, #tpu.memory_space<vmem>> -> memref<1x2048xf32, #tpu.memory_space<vmem>>
    %dma_wait3A_77 = tpu.memref_squeeze %dma_wait3A_76 : memref<1x2048xf32, #tpu.memory_space<vmem>> -> memref<2048xf32, #tpu.memory_space<vmem>>
    %dma_wait3A_78 = tpu.memref_slice %arg3[%add3A_6] : memref<1048576xf32, #tpu.memory_space<hbm>> -> memref<2048xf32, #tpu.memory_space<hbm>>
    tpu.wait_dma2 semaphore(%arg10 : memref<!tpu.dma_semaphore, #tpu.memory_space<semaphore_mem>>) src(%dma_wait3A_78 : memref<2048xf32, #tpu.memory_space<hbm>>) dst(%dma_wait3A_77 : memref<2048xf32, #tpu.memory_space<vmem>>)
    %dma_wait3A_79 = arith.constant 0 : i32
    %dma_wait3A_80 = arith.constant 0 : i32
    %dma_wait3A_81 = tpu.memref_slice %arg8[%dma_wait3A_79, %dma_wait3A_80] : memref<2x2048xf32, #tpu.memory_space<vmem>> -> memref<1x2048xf32, #tpu.memory_space<vmem>>
    %dma_wait3A_82 = tpu.memref_squeeze %dma_wait3A_81 : memref<1x2048xf32, #tpu.memory_space<vmem>> -> memref<2048xf32, #tpu.memory_space<vmem>>
    %dma_wait3A_83 = tpu.memref_slice %arg4[%add3A_6] : memref<1048576xf32, #tpu.memory_space<hbm>> -> memref<2048xf32, #tpu.memory_space<hbm>>
    %dma_wait3A_84 = arith.constant 0 : i32
    %dma_wait3A_85 = tpu.memref_slice %arg8[%dma_wait3A_79, %dma_wait3A_84] : memref<2x2048xf32, #tpu.memory_space<vmem>> -> memref<1x2048xf32, #tpu.memory_space<vmem>>
    %dma_wait3A_86 = tpu.memref_squeeze %dma_wait3A_85 : memref<1x2048xf32, #tpu.memory_space<vmem>> -> memref<2048xf32, #tpu.memory_space<vmem>>
    %dma_wait3A_87 = tpu.memref_slice %arg4[%add3A_6] : memref<1048576xf32, #tpu.memory_space<hbm>> -> memref<2048xf32, #tpu.memory_space<hbm>>
    tpu.wait_dma2 semaphore(%arg10 : memref<!tpu.dma_semaphore, #tpu.memory_space<semaphore_mem>>) src(%dma_wait3A_87 : memref<2048xf32, #tpu.memory_space<hbm>>) dst(%dma_wait3A_86 : memref<2048xf32, #tpu.memory_space<vmem>>)
    %parallel_loop3A = arith.constant 0 : i32
    %parallel_loop3A_88 = arith.constant 2048 : i32
    %parallel_loop3A_89 = arith.constant 16 : i32
    scf.for %parallel_loop3A_163 = %parallel_loop3A to %parallel_loop3A_88 step %parallel_loop3A_89  : i32 {
      %parallel_loop3A_164 = arith.constant 0 : i32
      %parallel_loop3A_165 = arith.index_cast %parallel_loop3A_164 : i32 to index
      %parallel_loop3A_166 = arith.index_cast %parallel_loop3A_163 : i32 to index
      %parallel_loop3A_167 = tpu.vector_load %arg6[%parallel_loop3A_165, %parallel_loop3A_166] {strides = array<i32>} : memref<2x2048xf32, #tpu.memory_space<vmem>>, vector<1x16xf32>,
      %parallel_loop3A_168 = vector.shape_cast %parallel_loop3A_167 : vector<1x16xf32> to vector<16xf32>
      %parallel_loop3A_169 = arith.constant 0 : i32
      %parallel_loop3A_170 = arith.index_cast %parallel_loop3A_169 : i32 to index
      %parallel_loop3A_171 = arith.index_cast %parallel_loop3A_163 : i32 to index
      %parallel_loop3A_172 = tpu.vector_load %arg7[%parallel_loop3A_170, %parallel_loop3A_171] {strides = array<i32>} : memref<2x2048xf32, #tpu.memory_space<vmem>>, vector<1x16xf32>,
      %parallel_loop3A_173 = vector.shape_cast %parallel_loop3A_172 : vector<1x16xf32> to vector<16xf32>
      %parallel_loop3A_174 = arith.constant 0 : i32
      %parallel_loop3A_175 = arith.index_cast %parallel_loop3A_174 : i32 to index
      %parallel_loop3A_176 = arith.index_cast %parallel_loop3A_163 : i32 to index
      %parallel_loop3A_177 = tpu.vector_load %arg8[%parallel_loop3A_175, %parallel_loop3A_176] {strides = array<i32>} : memref<2x2048xf32, #tpu.memory_space<vmem>>, vector<1x16xf32>,
      %parallel_loop3A_178 = vector.shape_cast %parallel_loop3A_177 : vector<1x16xf32> to vector<16xf32>
      %parallel_loop3A_179 = tpu.bitcast %parallel_loop3A_173 : vector<16xf32> -> vector<16xi32>
      %parallel_loop3A_180 = arith.constant 8388607 : i32
      %parallel_loop3A_181 = vector.broadcast %parallel_loop3A_180 : i32 to vector<16xi32>
      %parallel_loop3A_182 = arith.andi %parallel_loop3A_179, %parallel_loop3A_181 : vector<16xi32>
      %parallel_loop3A_183 = arith.constant 1065353216 : i32
      %parallel_loop3A_184 = vector.broadcast %parallel_loop3A_183 : i32 to vector<16xi32>
      %parallel_loop3A_185 = arith.ori %parallel_loop3A_182, %parallel_loop3A_184 : vector<16xi32>
      %parallel_loop3A_186 = tpu.bitcast %parallel_loop3A_185 : vector<16xi32> -> vector<16xf32>
      %parallel_loop3A_187 = arith.constant 1.000000e+00 : f32
      %parallel_loop3A_188 = vector.broadcast %parallel_loop3A_187 : f32 to vector<16xf32>
      %parallel_loop3A_189 = arith.addf %parallel_loop3A_186, %parallel_loop3A_188 : vector<16xf32>
      %parallel_loop3A_190 = tpu.bitcast %parallel_loop3A_178 : vector<16xf32> -> vector<16xi32>
      %parallel_loop3A_191 = arith.constant 8388607 : i32
      %parallel_loop3A_192 = vector.broadcast %parallel_loop3A_191 : i32 to vector<16xi32>
      %parallel_loop3A_193 = arith.andi %parallel_loop3A_190, %parallel_loop3A_192 : vector<16xi32>
      %parallel_loop3A_194 = arith.constant 1065353216 : i32
      %parallel_loop3A_195 = vector.broadcast %parallel_loop3A_194 : i32 to vector<16xi32>
      %parallel_loop3A_196 = arith.ori %parallel_loop3A_193, %parallel_loop3A_195 : vector<16xi32>
      %parallel_loop3A_197 = tpu.bitcast %parallel_loop3A_196 : vector<16xi32> -> vector<16xf32>
      %parallel_loop3A_198 = arith.constant 1.000000e+00 : f32
      %parallel_loop3A_199 = vector.broadcast %parallel_loop3A_198 : f32 to vector<16xf32>
      %parallel_loop3A_200 = arith.addf %parallel_loop3A_197, %parallel_loop3A_199 : vector<16xf32>
      %parallel_loop3A_201 = arith.mulf %parallel_loop3A_189, %parallel_loop3A_200 : vector<16xf32>
      %parallel_loop3A_202 = arith.constant 1.000000e+00 : f32
      %parallel_loop3A_203 = vector.broadcast %parallel_loop3A_202 : f32 to vector<16xf32>
      %parallel_loop3A_204 = arith.divf %parallel_loop3A_203, %parallel_loop3A_201 : vector<16xf32>
      %parallel_loop3A_205 = tpu.bitcast %parallel_loop3A_173 : vector<16xf32> -> vector<16xi32>
      %parallel_loop3A_206 = arith.constant 23 : i32
      %parallel_loop3A_207 = vector.broadcast %parallel_loop3A_206 : i32 to vector<16xi32>
      %parallel_loop3A_208 = arith.shrui %parallel_loop3A_205, %parallel_loop3A_207 : vector<16xi32>
      %parallel_loop3A_209 = arith.constant 127 : i32
      %parallel_loop3A_210 = vector.broadcast %parallel_loop3A_209 : i32 to vector<16xi32>
      %parallel_loop3A_211 = arith.subi %parallel_loop3A_210, %parallel_loop3A_208 : vector<16xi32>
      %parallel_loop3A_212 = arith.constant 8388607 : i32
      %parallel_loop3A_213 = vector.broadcast %parallel_loop3A_212 : i32 to vector<16xi32>
      %parallel_loop3A_214 = arith.andi %parallel_loop3A_205, %parallel_loop3A_213 : vector<16xi32>
      %parallel_loop3A_215 = arith.constant 1065353216 : i32
      %parallel_loop3A_216 = vector.broadcast %parallel_loop3A_215 : i32 to vector<16xi32>
      %parallel_loop3A_217 = arith.ori %parallel_loop3A_214, %parallel_loop3A_216 : vector<16xi32>
      %parallel_loop3A_218 = tpu.bitcast %parallel_loop3A_217 : vector<16xi32> -> vector<16xf32>
      %parallel_loop3A_219 = arith.constant 1.000000e+00 : f32
      %parallel_loop3A_220 = vector.broadcast %parallel_loop3A_219 : f32 to vector<16xf32>
      %parallel_loop3A_221 = arith.subf %parallel_loop3A_218, %parallel_loop3A_220 : vector<16xf32>
      %parallel_loop3A_222 = arith.mulf %parallel_loop3A_200, %parallel_loop3A_204 : vector<16xf32>
      %parallel_loop3A_223 = arith.mulf %parallel_loop3A_221, %parallel_loop3A_222 : vector<16xf32>
      %parallel_loop3A_224 = arith.mulf %parallel_loop3A_223, %parallel_loop3A_223 : vector<16xf32>
      %parallel_loop3A_225 = arith.constant 0.505269527 : f32
      %parallel_loop3A_226 = vector.broadcast %parallel_loop3A_225 : f32 to vector<16xf32>
      %parallel_loop3A_227 = arith.mulf %parallel_loop3A_224, %parallel_loop3A_226 : vector<16xf32>
      %parallel_loop3A_228 = arith.constant 0.568918586 : f32
      %parallel_loop3A_229 = vector.broadcast %parallel_loop3A_228 : f32 to vector<16xf32>
      %parallel_loop3A_230 = arith.addf %parallel_loop3A_229, %parallel_loop3A_227 : vector<16xf32>
      %parallel_loop3A_231 = arith.mulf %parallel_loop3A_224, %parallel_loop3A_230 : vector<16xf32>
      %parallel_loop3A_232 = arith.constant 0.962055802 : f32
      %parallel_loop3A_233 = vector.broadcast %parallel_loop3A_232 : f32 to vector<16xf32>
      %parallel_loop3A_234 = arith.addf %parallel_loop3A_233, %parallel_loop3A_231 : vector<16xf32>
      %parallel_loop3A_235 = arith.mulf %parallel_loop3A_224, %parallel_loop3A_234 : vector<16xf32>
      %parallel_loop3A_236 = arith.constant 2.8853879 : f32
      %parallel_loop3A_237 = vector.broadcast %parallel_loop3A_236 : f32 to vector<16xf32>
      %parallel_loop3A_238 = arith.addf %parallel_loop3A_237, %parallel_loop3A_235 : vector<16xf32>
      %parallel_loop3A_239 = arith.sitofp %parallel_loop3A_211 : vector<16xi32> to vector<16xf32>
      %parallel_loop3A_240 = arith.mulf %parallel_loop3A_223, %parallel_loop3A_238 : vector<16xf32>
      %parallel_loop3A_241 = arith.subf %parallel_loop3A_239, %parallel_loop3A_240 : vector<16xf32>
      %parallel_loop3A_242 = tpu.bitcast %parallel_loop3A_178 : vector<16xf32> -> vector<16xi32>
      %parallel_loop3A_243 = arith.constant 23 : i32
      %parallel_loop3A_244 = vector.broadcast %parallel_loop3A_243 : i32 to vector<16xi32>
      %parallel_loop3A_245 = arith.shrui %parallel_loop3A_242, %parallel_loop3A_244 : vector<16xi32>
      %parallel_loop3A_246 = arith.constant 127 : i32
      %parallel_loop3A_247 = vector.broadcast %parallel_loop3A_246 : i32 to vector<16xi32>
      %parallel_loop3A_248 = arith.subi %parallel_loop3A_247, %parallel_loop3A_245 : vector<16xi32>
      %parallel_loop3A_249 = arith.constant 8388607 : i32
      %parallel_loop3A_250 = vector.broadcast %parallel_loop3A_249 : i32 to vector<16xi32>
      %parallel_loop3A_251 = arith.andi %parallel_loop3A_242, %parallel_loop3A_250 : vector<16xi32>
      %parallel_loop3A_252 = arith.constant 1065353216 : i32
      %parallel_loop3A_253 = vector.broadcast %parallel_loop3A_252 : i32 to vector<16xi32>
      %parallel_loop3A_254 = arith.ori %parallel_loop3A_251, %parallel_loop3A_253 : vector<16xi32>
      %parallel_loop3A_255 = tpu.bitcast %parallel_loop3A_254 : vector<16xi32> -> vector<16xf32>
      %parallel_loop3A_256 = arith.constant 1.000000e+00 : f32
      %parallel_loop3A_257 = vector.broadcast %parallel_loop3A_256 : f32 to vector<16xf32>
      %parallel_loop3A_258 = arith.subf %parallel_loop3A_255, %parallel_loop3A_257 : vector<16xf32>
      %parallel_loop3A_259 = arith.mulf %parallel_loop3A_189, %parallel_loop3A_204 : vector<16xf32>
      %parallel_loop3A_260 = arith.mulf %parallel_loop3A_258, %parallel_loop3A_259 : vector<16xf32>
      %parallel_loop3A_261 = arith.mulf %parallel_loop3A_260, %parallel_loop3A_260 : vector<16xf32>
      %parallel_loop3A_262 = arith.constant 0.505269527 : f32
      %parallel_loop3A_263 = vector.broadcast %parallel_loop3A_262 : f32 to vector<16xf32>
      %parallel_loop3A_264 = arith.mulf %parallel_loop3A_261, %parallel_loop3A_263 : vector<16xf32>
      %parallel_loop3A_265 = arith.constant 0.568918586 : f32
      %parallel_loop3A_266 = vector.broadcast %parallel_loop3A_265 : f32 to vector<16xf32>
      %parallel_loop3A_267 = arith.addf %parallel_loop3A_266, %parallel_loop3A_264 : vector<16xf32>
      %parallel_loop3A_268 = arith.mulf %parallel_loop3A_261, %parallel_loop3A_267 : vector<16xf32>
      %parallel_loop3A_269 = arith.constant 0.962055802 : f32
      %parallel_loop3A_270 = vector.broadcast %parallel_loop3A_269 : f32 to vector<16xf32>
      %parallel_loop3A_271 = arith.addf %parallel_loop3A_270, %parallel_loop3A_268 : vector<16xf32>
      %parallel_loop3A_272 = arith.mulf %parallel_loop3A_261, %parallel_loop3A_271 : vector<16xf32>
      %parallel_loop3A_273 = arith.constant 2.8853879 : f32
      %parallel_loop3A_274 = vector.broadcast %parallel_loop3A_273 : f32 to vector<16xf32>
      %parallel_loop3A_275 = arith.addf %parallel_loop3A_274, %parallel_loop3A_272 : vector<16xf32>
      %parallel_loop3A_276 = arith.sitofp %parallel_loop3A_248 : vector<16xi32> to vector<16xf32>
      %parallel_loop3A_277 = arith.mulf %parallel_loop3A_260, %parallel_loop3A_275 : vector<16xf32>
      %parallel_loop3A_278 = arith.subf %parallel_loop3A_276, %parallel_loop3A_277 : vector<16xf32>
      %parallel_loop3A_279 = arith.constant 4.000000e+00 : f32
      %parallel_loop3A_280 = vector.broadcast %parallel_loop3A_279 : f32 to vector<16xf32>
      %parallel_loop3A_281 = arith.mulf %parallel_loop3A_280, %parallel_loop3A_168 : vector<16xf32>
      %parallel_loop3A_282 = arith.constant 2.000000e+00 : f32
      %parallel_loop3A_283 = vector.broadcast %parallel_loop3A_282 : f32 to vector<16xf32>
      %parallel_loop3A_284 = arith.subf %parallel_loop3A_283, %parallel_loop3A_281 : vector<16xf32>
      %parallel_loop3A_285 = math.exp %parallel_loop3A_284 : vector<16xf32>
      %parallel_loop3A_286 = arith.mulf %parallel_loop3A_278, %parallel_loop3A_278 : vector<16xf32>
      %parallel_loop3A_287 = arith.mulf %parallel_loop3A_241, %parallel_loop3A_241 : vector<16xf32>
      %parallel_loop3A_288 = arith.mulf %parallel_loop3A_287, %parallel_loop3A_285 : vector<16xf32>
      %parallel_loop3A_289 = arith.addf %parallel_loop3A_288, %parallel_loop3A_286 : vector<16xf32>
      %parallel_loop3A_290 = arith.divf %parallel_loop3A_286, %parallel_loop3A_289 : vector<16xf32>
      %parallel_loop3A_291 = arith.constant 0 : i32
      %parallel_loop3A_292 = arith.index_cast %parallel_loop3A_291 : i32 to index
      %parallel_loop3A_293 = arith.index_cast %parallel_loop3A_163 : i32 to index
      %parallel_loop3A_294 = tpu.vector_load %arg9[%parallel_loop3A_292, %parallel_loop3A_293] {strides = array<i32>} : memref<2x2048xf32, #tpu.memory_space<vmem>>, vector<1x16xf32>,
      %parallel_loop3A_295 = vector.shape_cast %parallel_loop3A_294 : vector<1x16xf32> to vector<16xf32>
      %parallel_loop3A_296 = vector.shape_cast %parallel_loop3A_290 : vector<16xf32> to vector<1x16xf32>
      tpu.vector_store %arg9[%parallel_loop3A_292, %parallel_loop3A_293], %parallel_loop3A_296 {strides = array<i32>} : memref<2x2048xf32, #tpu.memory_space<vmem>>, vector<1x16xf32>,
    } {sc.loop_unroll_factor = 4 : i64, sc.parallel_access}
    %sub3A = arith.constant 917504 : i32
    %sub3A_90 = arith.subi %add3A_4, %sub3A : i32
    %add3A_91 = arith.constant 0 : i32
    %add3A_92 = arith.addi %sub3A_90, %add3A_91 : i32
    %dma_start3A_93 = arith.constant 0 : i32
    %dma_start3A_94 = arith.constant 0 : i32
    %dma_start3A_95 = tpu.memref_slice %arg9[%dma_start3A_93, %dma_start3A_94] : memref<2x2048xf32, #tpu.memory_space<vmem>> -> memref<1x2048xf32, #tpu.memory_space<vmem>>
    %dma_start3A_96 = tpu.memref_squeeze %dma_start3A_95 : memref<1x2048xf32, #tpu.memory_space<vmem>> -> memref<2048xf32, #tpu.memory_space<vmem>>
    %dma_start3A_97 = tpu.memref_slice %arg5[%add3A_92] : memref<131072xf32, #tpu.memory_space<hbm>> -> memref<2048xf32, #tpu.memory_space<hbm>>
    %dma_start3A_98 = tpu.memref_slice %arg5[%add3A_92] : memref<131072xf32, #tpu.memory_space<hbm>> -> memref<2048xf32, #tpu.memory_space<hbm>>
    %dma_start3A_99 = arith.constant 0 : i32
    %dma_start3A_100 = tpu.memref_slice %arg9[%dma_start3A_93, %dma_start3A_99] : memref<2x2048xf32, #tpu.memory_space<vmem>> -> memref<1x2048xf32, #tpu.memory_space<vmem>>
    %dma_start3A_101 = tpu.memref_squeeze %dma_start3A_100 : memref<1x2048xf32, #tpu.memory_space<vmem>> -> memref<2048xf32, #tpu.memory_space<vmem>>
    tpu.enqueue_dma source(%dma_start3A_101 : memref<2048xf32, #tpu.memory_space<vmem>>) target(%dma_start3A_98 : memref<2048xf32, #tpu.memory_space<hbm>>) target_semaphore(%arg12 : memref<!tpu.dma_semaphore, #tpu.memory_space<semaphore_mem>>)
    %dma_wait3A_102 = arith.constant 1 : i32
    %dma_wait3A_103 = arith.constant 0 : i32
    %dma_wait3A_104 = tpu.memref_slice %arg6[%dma_wait3A_102, %dma_wait3A_103] : memref<2x2048xf32, #tpu.memory_space<vmem>> -> memref<1x2048xf32, #tpu.memory_space<vmem>>
    %dma_wait3A_105 = tpu.memref_squeeze %dma_wait3A_104 : memref<1x2048xf32, #tpu.memory_space<vmem>> -> memref<2048xf32, #tpu.memory_space<vmem>>
    %dma_wait3A_106 = tpu.memref_slice %arg2[%add3A_34] : memref<1048576xf32, #tpu.memory_space<hbm>> -> memref<2048xf32, #tpu.memory_space<hbm>>
    %dma_wait3A_107 = arith.constant 0 : i32
    %dma_wait3A_108 = tpu.memref_slice %arg6[%dma_wait3A_102, %dma_wait3A_107] : memref<2x2048xf32, #tpu.memory_space<vmem>> -> memref<1x2048xf32, #tpu.memory_space<vmem>>
    %dma_wait3A_109 = tpu.memref_squeeze %dma_wait3A_108 : memref<1x2048xf32, #tpu.memory_space<vmem>> -> memref<2048xf32, #tpu.memory_space<vmem>>
    %dma_wait3A_110 = tpu.memref_slice %arg2[%add3A_34] : memref<1048576xf32, #tpu.memory_space<hbm>> -> memref<2048xf32, #tpu.memory_space<hbm>>
    tpu.wait_dma2 semaphore(%arg11 : memref<!tpu.dma_semaphore, #tpu.memory_space<semaphore_mem>>) src(%dma_wait3A_110 : memref<2048xf32, #tpu.memory_space<hbm>>) dst(%dma_wait3A_109 : memref<2048xf32, #tpu.memory_space<vmem>>)
    %dma_wait3A_111 = arith.constant 1 : i32
    %dma_wait3A_112 = arith.constant 0 : i32
    %dma_wait3A_113 = tpu.memref_slice %arg7[%dma_wait3A_111, %dma_wait3A_112] : memref<2x2048xf32, #tpu.memory_space<vmem>> -> memref<1x2048xf32, #tpu.memory_space<vmem>>
    %dma_wait3A_114 = tpu.memref_squeeze %dma_wait3A_113 : memref<1x2048xf32, #tpu.memory_space<vmem>> -> memref<2048xf32, #tpu.memory_space<vmem>>
    %dma_wait3A_115 = tpu.memref_slice %arg3[%add3A_34] : memref<1048576xf32, #tpu.memory_space<hbm>> -> memref<2048xf32, #tpu.memory_space<hbm>>
    %dma_wait3A_116 = arith.constant 0 : i32
    %dma_wait3A_117 = tpu.memref_slice %arg7[%dma_wait3A_111, %dma_wait3A_116] : memref<2x2048xf32, #tpu.memory_space<vmem>> -> memref<1x2048xf32, #tpu.memory_space<vmem>>
    %dma_wait3A_118 = tpu.memref_squeeze %dma_wait3A_117 : memref<1x2048xf32, #tpu.memory_space<vmem>> -> memref<2048xf32, #tpu.memory_space<vmem>>
    %dma_wait3A_119 = tpu.memref_slice %arg3[%add3A_34] : memref<1048576xf32, #tpu.memory_space<hbm>> -> memref<2048xf32, #tpu.memory_space<hbm>>
    tpu.wait_dma2 semaphore(%arg11 : memref<!tpu.dma_semaphore, #tpu.memory_space<semaphore_mem>>) src(%dma_wait3A_119 : memref<2048xf32, #tpu.memory_space<hbm>>) dst(%dma_wait3A_118 : memref<2048xf32, #tpu.memory_space<vmem>>)
    %dma_wait3A_120 = arith.constant 1 : i32
    %dma_wait3A_121 = arith.constant 0 : i32
    %dma_wait3A_122 = tpu.memref_slice %arg8[%dma_wait3A_120, %dma_wait3A_121] : memref<2x2048xf32, #tpu.memory_space<vmem>> -> memref<1x2048xf32, #tpu.memory_space<vmem>>
    %dma_wait3A_123 = tpu.memref_squeeze %dma_wait3A_122 : memref<1x2048xf32, #tpu.memory_space<vmem>> -> memref<2048xf32, #tpu.memory_space<vmem>>
    %dma_wait3A_124 = tpu.memref_slice %arg4[%add3A_34] : memref<1048576xf32, #tpu.memory_space<hbm>> -> memref<2048xf32, #tpu.memory_space<hbm>>
    %dma_wait3A_125 = arith.constant 0 : i32
    %dma_wait3A_126 = tpu.memref_slice %arg8[%dma_wait3A_120, %dma_wait3A_125] : memref<2x2048xf32, #tpu.memory_space<vmem>> -> memref<1x2048xf32, #tpu.memory_space<vmem>>
    %dma_wait3A_127 = tpu.memref_squeeze %dma_wait3A_126 : memref<1x2048xf32, #tpu.memory_space<vmem>> -> memref<2048xf32, #tpu.memory_space<vmem>>
    %dma_wait3A_128 = tpu.memref_slice %arg4[%add3A_34] : memref<1048576xf32, #tpu.memory_space<hbm>> -> memref<2048xf32, #tpu.memory_space<hbm>>
    tpu.wait_dma2 semaphore(%arg11 : memref<!tpu.dma_semaphore, #tpu.memory_space<semaphore_mem>>) src(%dma_wait3A_128 : memref<2048xf32, #tpu.memory_space<hbm>>) dst(%dma_wait3A_127 : memref<2048xf32, #tpu.memory_space<vmem>>)
    %parallel_loop3A_129 = arith.constant 0 : i32
    %parallel_loop3A_130 = arith.constant 2048 : i32
    %parallel_loop3A_131 = arith.constant 16 : i32
    scf.for %parallel_loop3A_163 = %parallel_loop3A_129 to %parallel_loop3A_130 step %parallel_loop3A_131  : i32 {
      %parallel_loop3A_164 = arith.constant 1 : i32
      %parallel_loop3A_165 = arith.index_cast %parallel_loop3A_164 : i32 to index
      %parallel_loop3A_166 = arith.index_cast %parallel_loop3A_163 : i32 to index
      %parallel_loop3A_167 = tpu.vector_load %arg6[%parallel_loop3A_165, %parallel_loop3A_166] {strides = array<i32>} : memref<2x2048xf32, #tpu.memory_space<vmem>>, vector<1x16xf32>,
      %parallel_loop3A_168 = vector.shape_cast %parallel_loop3A_167 : vector<1x16xf32> to vector<16xf32>
      %parallel_loop3A_169 = arith.constant 1 : i32
      %parallel_loop3A_170 = arith.index_cast %parallel_loop3A_169 : i32 to index
      %parallel_loop3A_171 = arith.index_cast %parallel_loop3A_163 : i32 to index
      %parallel_loop3A_172 = tpu.vector_load %arg7[%parallel_loop3A_170, %parallel_loop3A_171] {strides = array<i32>} : memref<2x2048xf32, #tpu.memory_space<vmem>>, vector<1x16xf32>,
      %parallel_loop3A_173 = vector.shape_cast %parallel_loop3A_172 : vector<1x16xf32> to vector<16xf32>
      %parallel_loop3A_174 = arith.constant 1 : i32
      %parallel_loop3A_175 = arith.index_cast %parallel_loop3A_174 : i32 to index
      %parallel_loop3A_176 = arith.index_cast %parallel_loop3A_163 : i32 to index
      %parallel_loop3A_177 = tpu.vector_load %arg8[%parallel_loop3A_175, %parallel_loop3A_176] {strides = array<i32>} : memref<2x2048xf32, #tpu.memory_space<vmem>>, vector<1x16xf32>,
      %parallel_loop3A_178 = vector.shape_cast %parallel_loop3A_177 : vector<1x16xf32> to vector<16xf32>
      %parallel_loop3A_179 = tpu.bitcast %parallel_loop3A_173 : vector<16xf32> -> vector<16xi32>
      %parallel_loop3A_180 = arith.constant 8388607 : i32
      %parallel_loop3A_181 = vector.broadcast %parallel_loop3A_180 : i32 to vector<16xi32>
      %parallel_loop3A_182 = arith.andi %parallel_loop3A_179, %parallel_loop3A_181 : vector<16xi32>
      %parallel_loop3A_183 = arith.constant 1065353216 : i32
      %parallel_loop3A_184 = vector.broadcast %parallel_loop3A_183 : i32 to vector<16xi32>
      %parallel_loop3A_185 = arith.ori %parallel_loop3A_182, %parallel_loop3A_184 : vector<16xi32>
      %parallel_loop3A_186 = tpu.bitcast %parallel_loop3A_185 : vector<16xi32> -> vector<16xf32>
      %parallel_loop3A_187 = arith.constant 1.000000e+00 : f32
      %parallel_loop3A_188 = vector.broadcast %parallel_loop3A_187 : f32 to vector<16xf32>
      %parallel_loop3A_189 = arith.addf %parallel_loop3A_186, %parallel_loop3A_188 : vector<16xf32>
      %parallel_loop3A_190 = tpu.bitcast %parallel_loop3A_178 : vector<16xf32> -> vector<16xi32>
      %parallel_loop3A_191 = arith.constant 8388607 : i32
      %parallel_loop3A_192 = vector.broadcast %parallel_loop3A_191 : i32 to vector<16xi32>
      %parallel_loop3A_193 = arith.andi %parallel_loop3A_190, %parallel_loop3A_192 : vector<16xi32>
      %parallel_loop3A_194 = arith.constant 1065353216 : i32
      %parallel_loop3A_195 = vector.broadcast %parallel_loop3A_194 : i32 to vector<16xi32>
      %parallel_loop3A_196 = arith.ori %parallel_loop3A_193, %parallel_loop3A_195 : vector<16xi32>
      %parallel_loop3A_197 = tpu.bitcast %parallel_loop3A_196 : vector<16xi32> -> vector<16xf32>
      %parallel_loop3A_198 = arith.constant 1.000000e+00 : f32
      %parallel_loop3A_199 = vector.broadcast %parallel_loop3A_198 : f32 to vector<16xf32>
      %parallel_loop3A_200 = arith.addf %parallel_loop3A_197, %parallel_loop3A_199 : vector<16xf32>
      %parallel_loop3A_201 = arith.mulf %parallel_loop3A_189, %parallel_loop3A_200 : vector<16xf32>
      %parallel_loop3A_202 = arith.constant 1.000000e+00 : f32
      %parallel_loop3A_203 = vector.broadcast %parallel_loop3A_202 : f32 to vector<16xf32>
      %parallel_loop3A_204 = arith.divf %parallel_loop3A_203, %parallel_loop3A_201 : vector<16xf32>
      %parallel_loop3A_205 = tpu.bitcast %parallel_loop3A_173 : vector<16xf32> -> vector<16xi32>
      %parallel_loop3A_206 = arith.constant 23 : i32
      %parallel_loop3A_207 = vector.broadcast %parallel_loop3A_206 : i32 to vector<16xi32>
      %parallel_loop3A_208 = arith.shrui %parallel_loop3A_205, %parallel_loop3A_207 : vector<16xi32>
      %parallel_loop3A_209 = arith.constant 127 : i32
      %parallel_loop3A_210 = vector.broadcast %parallel_loop3A_209 : i32 to vector<16xi32>
      %parallel_loop3A_211 = arith.subi %parallel_loop3A_210, %parallel_loop3A_208 : vector<16xi32>
      %parallel_loop3A_212 = arith.constant 8388607 : i32
      %parallel_loop3A_213 = vector.broadcast %parallel_loop3A_212 : i32 to vector<16xi32>
      %parallel_loop3A_214 = arith.andi %parallel_loop3A_205, %parallel_loop3A_213 : vector<16xi32>
      %parallel_loop3A_215 = arith.constant 1065353216 : i32
      %parallel_loop3A_216 = vector.broadcast %parallel_loop3A_215 : i32 to vector<16xi32>
      %parallel_loop3A_217 = arith.ori %parallel_loop3A_214, %parallel_loop3A_216 : vector<16xi32>
      %parallel_loop3A_218 = tpu.bitcast %parallel_loop3A_217 : vector<16xi32> -> vector<16xf32>
      %parallel_loop3A_219 = arith.constant 1.000000e+00 : f32
      %parallel_loop3A_220 = vector.broadcast %parallel_loop3A_219 : f32 to vector<16xf32>
      %parallel_loop3A_221 = arith.subf %parallel_loop3A_218, %parallel_loop3A_220 : vector<16xf32>
      %parallel_loop3A_222 = arith.mulf %parallel_loop3A_200, %parallel_loop3A_204 : vector<16xf32>
      %parallel_loop3A_223 = arith.mulf %parallel_loop3A_221, %parallel_loop3A_222 : vector<16xf32>
      %parallel_loop3A_224 = arith.mulf %parallel_loop3A_223, %parallel_loop3A_223 : vector<16xf32>
      %parallel_loop3A_225 = arith.constant 0.505269527 : f32
      %parallel_loop3A_226 = vector.broadcast %parallel_loop3A_225 : f32 to vector<16xf32>
      %parallel_loop3A_227 = arith.mulf %parallel_loop3A_224, %parallel_loop3A_226 : vector<16xf32>
      %parallel_loop3A_228 = arith.constant 0.568918586 : f32
      %parallel_loop3A_229 = vector.broadcast %parallel_loop3A_228 : f32 to vector<16xf32>
      %parallel_loop3A_230 = arith.addf %parallel_loop3A_229, %parallel_loop3A_227 : vector<16xf32>
      %parallel_loop3A_231 = arith.mulf %parallel_loop3A_224, %parallel_loop3A_230 : vector<16xf32>
      %parallel_loop3A_232 = arith.constant 0.962055802 : f32
      %parallel_loop3A_233 = vector.broadcast %parallel_loop3A_232 : f32 to vector<16xf32>
      %parallel_loop3A_234 = arith.addf %parallel_loop3A_233, %parallel_loop3A_231 : vector<16xf32>
      %parallel_loop3A_235 = arith.mulf %parallel_loop3A_224, %parallel_loop3A_234 : vector<16xf32>
      %parallel_loop3A_236 = arith.constant 2.8853879 : f32
      %parallel_loop3A_237 = vector.broadcast %parallel_loop3A_236 : f32 to vector<16xf32>
      %parallel_loop3A_238 = arith.addf %parallel_loop3A_237, %parallel_loop3A_235 : vector<16xf32>
      %parallel_loop3A_239 = arith.sitofp %parallel_loop3A_211 : vector<16xi32> to vector<16xf32>
      %parallel_loop3A_240 = arith.mulf %parallel_loop3A_223, %parallel_loop3A_238 : vector<16xf32>
      %parallel_loop3A_241 = arith.subf %parallel_loop3A_239, %parallel_loop3A_240 : vector<16xf32>
      %parallel_loop3A_242 = tpu.bitcast %parallel_loop3A_178 : vector<16xf32> -> vector<16xi32>
      %parallel_loop3A_243 = arith.constant 23 : i32
      %parallel_loop3A_244 = vector.broadcast %parallel_loop3A_243 : i32 to vector<16xi32>
      %parallel_loop3A_245 = arith.shrui %parallel_loop3A_242, %parallel_loop3A_244 : vector<16xi32>
      %parallel_loop3A_246 = arith.constant 127 : i32
      %parallel_loop3A_247 = vector.broadcast %parallel_loop3A_246 : i32 to vector<16xi32>
      %parallel_loop3A_248 = arith.subi %parallel_loop3A_247, %parallel_loop3A_245 : vector<16xi32>
      %parallel_loop3A_249 = arith.constant 8388607 : i32
      %parallel_loop3A_250 = vector.broadcast %parallel_loop3A_249 : i32 to vector<16xi32>
      %parallel_loop3A_251 = arith.andi %parallel_loop3A_242, %parallel_loop3A_250 : vector<16xi32>
      %parallel_loop3A_252 = arith.constant 1065353216 : i32
      %parallel_loop3A_253 = vector.broadcast %parallel_loop3A_252 : i32 to vector<16xi32>
      %parallel_loop3A_254 = arith.ori %parallel_loop3A_251, %parallel_loop3A_253 : vector<16xi32>
      %parallel_loop3A_255 = tpu.bitcast %parallel_loop3A_254 : vector<16xi32> -> vector<16xf32>
      %parallel_loop3A_256 = arith.constant 1.000000e+00 : f32
      %parallel_loop3A_257 = vector.broadcast %parallel_loop3A_256 : f32 to vector<16xf32>
      %parallel_loop3A_258 = arith.subf %parallel_loop3A_255, %parallel_loop3A_257 : vector<16xf32>
      %parallel_loop3A_259 = arith.mulf %parallel_loop3A_189, %parallel_loop3A_204 : vector<16xf32>
      %parallel_loop3A_260 = arith.mulf %parallel_loop3A_258, %parallel_loop3A_259 : vector<16xf32>
      %parallel_loop3A_261 = arith.mulf %parallel_loop3A_260, %parallel_loop3A_260 : vector<16xf32>
      %parallel_loop3A_262 = arith.constant 0.505269527 : f32
      %parallel_loop3A_263 = vector.broadcast %parallel_loop3A_262 : f32 to vector<16xf32>
      %parallel_loop3A_264 = arith.mulf %parallel_loop3A_261, %parallel_loop3A_263 : vector<16xf32>
      %parallel_loop3A_265 = arith.constant 0.568918586 : f32
      %parallel_loop3A_266 = vector.broadcast %parallel_loop3A_265 : f32 to vector<16xf32>
      %parallel_loop3A_267 = arith.addf %parallel_loop3A_266, %parallel_loop3A_264 : vector<16xf32>
      %parallel_loop3A_268 = arith.mulf %parallel_loop3A_261, %parallel_loop3A_267 : vector<16xf32>
      %parallel_loop3A_269 = arith.constant 0.962055802 : f32
      %parallel_loop3A_270 = vector.broadcast %parallel_loop3A_269 : f32 to vector<16xf32>
      %parallel_loop3A_271 = arith.addf %parallel_loop3A_270, %parallel_loop3A_268 : vector<16xf32>
      %parallel_loop3A_272 = arith.mulf %parallel_loop3A_261, %parallel_loop3A_271 : vector<16xf32>
      %parallel_loop3A_273 = arith.constant 2.8853879 : f32
      %parallel_loop3A_274 = vector.broadcast %parallel_loop3A_273 : f32 to vector<16xf32>
      %parallel_loop3A_275 = arith.addf %parallel_loop3A_274, %parallel_loop3A_272 : vector<16xf32>
      %parallel_loop3A_276 = arith.sitofp %parallel_loop3A_248 : vector<16xi32> to vector<16xf32>
      %parallel_loop3A_277 = arith.mulf %parallel_loop3A_260, %parallel_loop3A_275 : vector<16xf32>
      %parallel_loop3A_278 = arith.subf %parallel_loop3A_276, %parallel_loop3A_277 : vector<16xf32>
      %parallel_loop3A_279 = arith.constant 4.000000e+00 : f32
      %parallel_loop3A_280 = vector.broadcast %parallel_loop3A_279 : f32 to vector<16xf32>
      %parallel_loop3A_281 = arith.mulf %parallel_loop3A_280, %parallel_loop3A_168 : vector<16xf32>
      %parallel_loop3A_282 = arith.constant 2.000000e+00 : f32
      %parallel_loop3A_283 = vector.broadcast %parallel_loop3A_282 : f32 to vector<16xf32>
      %parallel_loop3A_284 = arith.subf %parallel_loop3A_283, %parallel_loop3A_281 : vector<16xf32>
      %parallel_loop3A_285 = math.exp %parallel_loop3A_284 : vector<16xf32>
      %parallel_loop3A_286 = arith.mulf %parallel_loop3A_278, %parallel_loop3A_278 : vector<16xf32>
      %parallel_loop3A_287 = arith.mulf %parallel_loop3A_241, %parallel_loop3A_241 : vector<16xf32>
      %parallel_loop3A_288 = arith.mulf %parallel_loop3A_287, %parallel_loop3A_285 : vector<16xf32>
      %parallel_loop3A_289 = arith.addf %parallel_loop3A_288, %parallel_loop3A_286 : vector<16xf32>
      %parallel_loop3A_290 = arith.divf %parallel_loop3A_286, %parallel_loop3A_289 : vector<16xf32>
      %parallel_loop3A_291 = arith.constant 1 : i32
      %parallel_loop3A_292 = arith.index_cast %parallel_loop3A_291 : i32 to index
      %parallel_loop3A_293 = arith.index_cast %parallel_loop3A_163 : i32 to index
      %parallel_loop3A_294 = tpu.vector_load %arg9[%parallel_loop3A_292, %parallel_loop3A_293] {strides = array<i32>} : memref<2x2048xf32, #tpu.memory_space<vmem>>, vector<1x16xf32>,
      %parallel_loop3A_295 = vector.shape_cast %parallel_loop3A_294 : vector<1x16xf32> to vector<16xf32>
      %parallel_loop3A_296 = vector.shape_cast %parallel_loop3A_290 : vector<16xf32> to vector<1x16xf32>
      tpu.vector_store %arg9[%parallel_loop3A_292, %parallel_loop3A_293], %parallel_loop3A_296 {strides = array<i32>} : memref<2x2048xf32, #tpu.memory_space<vmem>>, vector<1x16xf32>,
    } {sc.loop_unroll_factor = 4 : i64, sc.parallel_access}
    %sub3A_132 = arith.constant 917504 : i32
    %sub3A_133 = arith.subi %add3A_4, %sub3A_132 : i32
    %add3A_134 = arith.constant 2048 : i32
    %add3A_135 = arith.addi %sub3A_133, %add3A_134 : i32
    %dma_start3A_136 = arith.constant 1 : i32
    %dma_start3A_137 = arith.constant 0 : i32
    %dma_start3A_138 = tpu.memref_slice %arg9[%dma_start3A_136, %dma_start3A_137] : memref<2x2048xf32, #tpu.memory_space<vmem>> -> memref<1x2048xf32, #tpu.memory_space<vmem>>
    %dma_start3A_139 = tpu.memref_squeeze %dma_start3A_138 : memref<1x2048xf32, #tpu.memory_space<vmem>> -> memref<2048xf32, #tpu.memory_space<vmem>>
    %dma_start3A_140 = tpu.memref_slice %arg5[%add3A_135] : memref<131072xf32, #tpu.memory_space<hbm>> -> memref<2048xf32, #tpu.memory_space<hbm>>
    %dma_start3A_141 = tpu.memref_slice %arg5[%add3A_135] : memref<131072xf32, #tpu.memory_space<hbm>> -> memref<2048xf32, #tpu.memory_space<hbm>>
    %dma_start3A_142 = arith.constant 0 : i32
    %dma_start3A_143 = tpu.memref_slice %arg9[%dma_start3A_136, %dma_start3A_142] : memref<2x2048xf32, #tpu.memory_space<vmem>> -> memref<1x2048xf32, #tpu.memory_space<vmem>>
    %dma_start3A_144 = tpu.memref_squeeze %dma_start3A_143 : memref<1x2048xf32, #tpu.memory_space<vmem>> -> memref<2048xf32, #tpu.memory_space<vmem>>
    tpu.enqueue_dma source(%dma_start3A_144 : memref<2048xf32, #tpu.memory_space<vmem>>) target(%dma_start3A_141 : memref<2048xf32, #tpu.memory_space<hbm>>) target_semaphore(%arg13 : memref<!tpu.dma_semaphore, #tpu.memory_space<semaphore_mem>>)
    %dma_wait3A_145 = arith.constant 0 : i32
    %dma_wait3A_146 = arith.constant 0 : i32
    %dma_wait3A_147 = tpu.memref_slice %arg9[%dma_wait3A_145, %dma_wait3A_146] : memref<2x2048xf32, #tpu.memory_space<vmem>> -> memref<1x2048xf32, #tpu.memory_space<vmem>>
    %dma_wait3A_148 = tpu.memref_squeeze %dma_wait3A_147 : memref<1x2048xf32, #tpu.memory_space<vmem>> -> memref<2048xf32, #tpu.memory_space<vmem>>
    %dma_wait3A_149 = tpu.memref_slice %arg5[%add3A_92] : memref<131072xf32, #tpu.memory_space<hbm>> -> memref<2048xf32, #tpu.memory_space<hbm>>
    %dma_wait3A_150 = tpu.memref_slice %arg5[%add3A_92] : memref<131072xf32, #tpu.memory_space<hbm>> -> memref<2048xf32, #tpu.memory_space<hbm>>
    %dma_wait3A_151 = arith.constant 0 : i32
    %dma_wait3A_152 = tpu.memref_slice %arg9[%dma_wait3A_145, %dma_wait3A_151] : memref<2x2048xf32, #tpu.memory_space<vmem>> -> memref<1x2048xf32, #tpu.memory_space<vmem>>
    %dma_wait3A_153 = tpu.memref_squeeze %dma_wait3A_152 : memref<1x2048xf32, #tpu.memory_space<vmem>> -> memref<2048xf32, #tpu.memory_space<vmem>>
    tpu.wait_dma2 semaphore(%arg12 : memref<!tpu.dma_semaphore, #tpu.memory_space<semaphore_mem>>) src(%dma_wait3A_153 : memref<2048xf32, #tpu.memory_space<vmem>>) dst(%dma_wait3A_150 : memref<2048xf32, #tpu.memory_space<hbm>>)
    %dma_wait3A_154 = arith.constant 1 : i32
    %dma_wait3A_155 = arith.constant 0 : i32
    %dma_wait3A_156 = tpu.memref_slice %arg9[%dma_wait3A_154, %dma_wait3A_155] : memref<2x2048xf32, #tpu.memory_space<vmem>> -> memref<1x2048xf32, #tpu.memory_space<vmem>>
    %dma_wait3A_157 = tpu.memref_squeeze %dma_wait3A_156 : memref<1x2048xf32, #tpu.memory_space<vmem>> -> memref<2048xf32, #tpu.memory_space<vmem>>
    %dma_wait3A_158 = tpu.memref_slice %arg5[%add3A_135] : memref<131072xf32, #tpu.memory_space<hbm>> -> memref<2048xf32, #tpu.memory_space<hbm>>
    %dma_wait3A_159 = tpu.memref_slice %arg5[%add3A_135] : memref<131072xf32, #tpu.memory_space<hbm>> -> memref<2048xf32, #tpu.memory_space<hbm>>
    %dma_wait3A_160 = arith.constant 0 : i32
    %dma_wait3A_161 = tpu.memref_slice %arg9[%dma_wait3A_154, %dma_wait3A_160] : memref<2x2048xf32, #tpu.memory_space<vmem>> -> memref<1x2048xf32, #tpu.memory_space<vmem>>
    %dma_wait3A_162 = tpu.memref_squeeze %dma_wait3A_161 : memref<1x2048xf32, #tpu.memory_space<vmem>> -> memref<2048xf32, #tpu.memory_space<vmem>>
    tpu.wait_dma2 semaphore(%arg13 : memref<!tpu.dma_semaphore, #tpu.memory_space<semaphore_mem>>) src(%dma_wait3A_162 : memref<2048xf32, #tpu.memory_space<vmem>>) dst(%dma_wait3A_159 : memref<2048xf32, #tpu.memory_space<hbm>>)
    return
  }
}

module attributes {stable_mosaic.version = 14 : i64} {
  func.func @_tc_body(%arg0: i32, %arg1: memref<1024x128xf32, #tpu.memory_space<vmem>>, %arg2: memref<1024x128xf32, #tpu.memory_space<vmem>>, %arg3: memref<1024x128xf32, #tpu.memory_space<vmem>>, %arg4: memref<1024x128xf32, #tpu.memory_space<vmem>>) attributes {dimension_semantics = [#tpu.dimension_semantics<arbitrary>], iteration_bounds = array<i64: 8>, scalar_prefetch = 0 : i64, scratch_operands = 0 : i64, tpu.core_type = #tpu.core_type<tc>, window_params = [{transform_indices = @transform_0, window_bounds = array<i64: 1024, 128>}, {transform_indices = @transform_1, window_bounds = array<i64: 1024, 128>}, {transform_indices = @transform_2, window_bounds = array<i64: 1024, 128>}, {transform_indices = @transform_3, window_bounds = array<i64: 1024, 128>}]} {
    %mul3A = arith.constant 1024 : i32
    %mul3A_0 = arith.muli %arg0, %mul3A : i32
    %lt3A = arith.constant 7168 : i32
    %lt3A_1 = arith.cmpi slt, %mul3A_0, %lt3A : i32
    %convert_element_type3A = arith.extui %lt3A_1 : i1 to i32
    %cond3A = arith.constant 0 : i32
    %cond3A_2 = arith.cmpi ne, %convert_element_type3A, %cond3A : i32
    scf.if %cond3A_2 {
      %get3A = arith.constant 0 : index
      %get3A_3 = arith.constant 0 : index
      %get3A_4 = vector.load %arg1[%get3A, %get3A_3] : memref<1024x128xf32, #tpu.memory_space<vmem>>, vector<1024x128xf32>
      %get3A_5 = arith.constant 0 : index
      %get3A_6 = arith.constant 0 : index
      %get3A_7 = vector.load %arg2[%get3A_5, %get3A_6] : memref<1024x128xf32, #tpu.memory_space<vmem>>, vector<1024x128xf32>
      %log3A = math.log %get3A_7 : vector<1024x128xf32>
      %neg3A = arith.constant 0.000000e+00 : f32
      %neg3A_8 = vector.broadcast %neg3A : f32 to vector<1024x128xf32>
      %neg3A_9 = arith.subf %neg3A_8, %log3A : vector<1024x128xf32>
      %get3A_10 = arith.constant 0 : index
      %get3A_11 = arith.constant 0 : index
      %get3A_12 = vector.load %arg3[%get3A_10, %get3A_11] : memref<1024x128xf32, #tpu.memory_space<vmem>>, vector<1024x128xf32>
      %log3A_13 = math.log %get3A_12 : vector<1024x128xf32>
      %neg3A_14 = arith.constant 0.000000e+00 : f32
      %neg3A_15 = vector.broadcast %neg3A_14 : f32 to vector<1024x128xf32>
      %neg3A_16 = arith.subf %neg3A_15, %log3A_13 : vector<1024x128xf32>
      %mul3A_17 = arith.constant 4.000000e+00 : f32
      %mul3A_18 = vector.broadcast %mul3A_17 : f32 to vector<1024x128xf32>
      %mul3A_19 = arith.mulf %mul3A_18, %get3A_4 : vector<1024x128xf32>
      %sub3A = arith.constant 2.000000e+00 : f32
      %sub3A_20 = vector.broadcast %sub3A : f32 to vector<1024x128xf32>
      %sub3A_21 = arith.subf %sub3A_20, %mul3A_19 : vector<1024x128xf32>
      %exp3A = math.exp %sub3A_21 : vector<1024x128xf32>
      %mul3A_22 = arith.mulf %neg3A_16, %neg3A_16 : vector<1024x128xf32>
      %mul3A_23 = arith.mulf %neg3A_9, %neg3A_9 : vector<1024x128xf32>
      %mul3A_24 = arith.mulf %mul3A_23, %exp3A : vector<1024x128xf32>
      %add3A = arith.addf %mul3A_24, %mul3A_22 : vector<1024x128xf32>
      %div3A = arith.divf %mul3A_22, %add3A : vector<1024x128xf32>
      %swap3A = arith.constant 0 : index
      %swap3A_25 = arith.constant 0 : index
      %swap3A_26 = vector.load %arg4[%swap3A, %swap3A_25] : memref<1024x128xf32, #tpu.memory_space<vmem>>, vector<1024x128xf32>
      tpu.vector_store %arg4[%swap3A, %swap3A_25], %div3A {strides = array<i32>} : memref<1024x128xf32, #tpu.memory_space<vmem>>, vector<1024x128xf32>,
    } else {
    }
    return
  }
  func.func @transform_0(%arg0: i32) -> (i32, i32) {
    %min3A = arith.constant 6 : i32
    %min3A_0 = arith.minsi %arg0, %min3A : i32
    %c0_i32 = arith.constant 0 : i32
    %c0_i32_1 = arith.constant 0 : i32
    return %min3A_0, %c0_i32 : i32, i32
  }
  func.func @transform_1(%arg0: i32) -> (i32, i32) {
    %min3A = arith.constant 6 : i32
    %min3A_0 = arith.minsi %arg0, %min3A : i32
    %c0_i32 = arith.constant 0 : i32
    %c0_i32_1 = arith.constant 0 : i32
    return %min3A_0, %c0_i32 : i32, i32
  }
  func.func @transform_2(%arg0: i32) -> (i32, i32) {
    %min3A = arith.constant 6 : i32
    %min3A_0 = arith.minsi %arg0, %min3A : i32
    %c0_i32 = arith.constant 0 : i32
    %c0_i32_1 = arith.constant 0 : i32
    return %min3A_0, %c0_i32 : i32, i32
  }
  func.func @transform_3(%arg0: i32) -> (i32, i32) {
    %c0_i32 = arith.constant 0 : i32
    %c0_i32_0 = arith.constant 0 : i32
    return %arg0, %c0_i32 : i32, i32
  }
}

</mosaic_0001>

<sc_bundles>
// kernel: kernel.4.cloned.1.call-start
scs
__scs_entry_jumppad:
0x0: {  	(pc) =	sbr.rel $0x88, $3  }
0x1: {  	(tag) =	ssettag $0x0;
	lr =	simm.s32 $0x1  }
0x2: {  	[smem:$0x3F9E] =	sst lr;
	_ =	strace $0xD0000000  }
0x3: {  	_ = 	snop  }
0x4: {  	_ = 	snop  }
0x5: {  	_ = 	snop  }
0x6: {  	_ = 	snop  }
0x7: {  	_ = 	snop  }
__scs_overlays_trampoline_lowered:
0x8: {  	[smem:$0x3FAD] =	sst s0  }
0x9: {  	[smem:$0x3FAE] =	sst s1  }
0xa: {  	[smem:$0x3FAF] =	sst s2  }
0xb: {  	[smem:$0x3FB0] =	sst s3  }
0xc: {  	[smem:$0x3FB1] =	sst s4  }
0xd: {  	[smem:$0x3FB2] =	sst s5  }
0xe: {  	[smem:$0x3FB3] =	sst s6  }
0xf: {  	[smem:$0x3FB4] =	sst s7  }
0x10: {  	[smem:$0x3FB5] =	sst s8  }
0x11: {  	[smem:$0x3FB6] =	sst s9;
	s0 =	simm.s32 @!p0 $0x0  }
0x12: {  	s1 =	sld [smem:$0x3F9C];
	s0 =	simm.s32 @p0 $0x1  }
0x13: {  	[smem:$0x3FB7] =	sst s0;
	s0 =	simm.s32 @!p1 $0x0  }
0x14: {  	s2 =	sld [smem:$0x3F9B];
	s0 =	simm.s32 @p1 $0x1  }
0x15: {  	[smem:$0x3FB8] =	sst s0;
	s0 =	simm.s32 @!p2 $0x0  }
0x16: {  	s3 =	sld [smem:$0x3FDB];
	s0 =	simm.s32 @p2 $0x1  }
0x17: {  	s4 =	simm.s32 $0x1BF5;
	[smem:$0x3FBA] =	sst s0  }
0x18: {  	s0 =	sld [smem:$0x3F9D];
	_ =	swait.ge [sflag:s4], $0x0  }
0x19: {  	s7 =	sld [smem:$0x3F9E]  }
0x1a: {  	s8 =	sadd.s32 $0xFFFFE003, lr  }
0x1b: {  	s9 =	sadd.s32 $0xFFFFFEF7, lr;
	s5 =	simm.s32 $0xFFFFFFFF;
	p2 =	slt.u32 s8, $0xFFFFF086  }
0x1c: {  	p1 =	slt.u32 s9, $0xF7A;
	s5 =	simm.s32 @!p2 $0x0  }
0x1d: {  	s5 =	simm.s32 @p1 $0x1;
	p0 =	seq.s32 s7, s2  }
0x1e: {  	s7 =	smul.u32 @!p0 $0xF7A, s2;
	p2 =	seq.s32 @!p0 s5, $0x0  }
0x1f: {  	s9 =	smul.u32 $0xF7A, s1;
	s8 =	simm.s32 @!p0 $0x1BF5;
	p2 =	por !p2, p0  }
0x20: {  	[sflag:s8] =	ssyncset.s32 @!p0 $0xFFFFF086;
	s6 =	sadd.s32 @!p0 s3, s7;
	s7 =	simm.s32 @!p0 $0x108  }
0x21: {  	s3 =	sadd.s32 s3, s9;
	s6 =	sadd.s32 @!p0 $0x88, s6;
	s7 =	simm.s32 @p2 $0x1082  }
0x22: {  	[simem:s7], [sflag:s8] =	dma.local @!p0 [hbm:s6], $0xF7A  }
0x23: {  	s9 =	sor.u32 $0xD0000000, s2;
	s6 =	simm.s32 $0x108;
	_ =	swait.ge @!p0 [sflag:s8], $0x0  }
0x24: {  	s3 =	sadd.s32 $0x88, s3;
	s6 =	simm.s32 @!p1 $0x1082;
	[sflag:s4] =	ssyncset.s32 $0xFFFFF086  }
0x25: {  	[simem:s6], [sflag:s4] =	dma.local [hbm:s3], $0xF7A  }
0x26: {  	[smem:$0x3F9E] =	sst s1;
	(tag) =	ssettag s2;
	_ =	strace s9  }
0x27: {  	s1 =	sld [smem:$0x3FAE]  }
0x28: {  	s2 =	sld [smem:$0x3FAF]  }
0x29: {  	s4 =	sld [smem:$0x3FB1]  }
0x2a: {  	p0 =	seq.s32 s5, $0x0;
	s5 =	sld [smem:$0x3FB2]  }
0x2b: {  	s6 =	sld [smem:$0x3FB3]  }
0x2c: {  	s7 =	sld [smem:$0x3FB4]  }
0x2d: {  	s3 =	simm.s32 $0x108;
	s8 =	sld [smem:$0x3FB5]  }
0x2e: {  	s3 =	simm.s32 @!p0 $0x1082;
	s9 =	sld [smem:$0x3FB6]  }
0x2f: {  	lr =	sadd.s32 s0, s3;
	s0 =	sld [smem:$0x3FAD]  }
0x30: {  	s3 =	sld [smem:$0x3FB0]  }
0x31: {  	[smem:$0x3FB9] =	sst s10  }
0x32: {  	s10 =	sld [smem:$0x3FB7];
	_ =	sdelay $0x3  }
0x33: {  	p0 =	seq.s32 s10, $0x1;
	s10 =	sld [smem:$0x3FB9];
	_ =	sdelay $0x3  }
0x34: {  	[smem:$0x3FB9] =	sst s10  }
0x35: {  	s10 =	sld [smem:$0x3FB8];
	_ =	sdelay $0x3  }
0x36: {  	p1 =	seq.s32 s10, $0x1;
	s10 =	sld [smem:$0x3FB9];
	_ =	sdelay $0x3  }
0x37: {  	[smem:$0x3FB9] =	sst s10  }
0x38: {  	s10 =	sld [smem:$0x3FBA]  }
0x39: {  	_ = 	snop;
	(pc) =	sbr.ind lr, $3  }
0x3a: {  	_ = 	snop  }
0x3b: {  	_ = 	snop  }
0x3c: {  	p2 =	seq.s32 s10, $0x1;
	s10 =	sld [smem:$0x3FB9]  }
0x3d: {  	_ =	shalt  }
0x3e: {  	_ =	shalt  }
0x3f: {  	_ =	shalt  }
0x40: {  	_ =	shalt  }
0x41: {  	_ =	shalt  }
0x42: {  	_ =	shalt  }
0x43: {  	_ =	shalt  }
0x44: {  	_ =	shalt  }
0x45: {  	_ =	shalt  }
0x46: {  	_ =	shalt  }
0x47: {  	_ =	shalt  }
0x48: {  	_ =	shalt  }
0x49: {  	_ =	shalt  }
0x4a: {  	_ =	shalt  }
0x4b: {  	_ =	shalt  }
0x4c: {  	_ =	shalt  }
0x4d: {  	_ =	shalt  }
0x4e: {  	_ =	shalt  }
0x4f: {  	_ =	shalt  }
0x50: {  	_ =	shalt  }
0x51: {  	_ =	shalt  }
0x52: {  	_ =	shalt  }
0x53: {  	_ =	shalt  }
0x54: {  	_ =	shalt  }
0x55: {  	_ =	shalt  }
0x56: {  	_ =	shalt  }
0x57: {  	_ =	shalt  }
0x58: {  	_ =	shalt  }
0x59: {  	_ =	shalt  }
0x5a: {  	_ =	shalt  }
0x5b: {  	_ =	shalt  }
0x5c: {  	_ =	shalt  }
0x5d: {  	_ =	shalt  }
0x5e: {  	_ =	shalt  }
0x5f: {  	_ =	shalt  }
0x60: {  	_ =	shalt  }
0x61: {  	_ =	shalt  }
0x62: {  	_ =	shalt  }
0x63: {  	_ =	shalt  }
0x64: {  	_ =	shalt  }
0x65: {  	_ =	shalt  }
0x66: {  	_ =	shalt  }
0x67: {  	_ =	shalt  }
0x68: {  	_ =	shalt  }
0x69: {  	_ =	shalt  }
0x6a: {  	_ =	shalt  }
0x6b: {  	_ =	shalt  }
0x6c: {  	_ =	shalt  }
0x6d: {  	_ =	shalt  }
0x6e: {  	_ =	shalt  }
0x6f: {  	_ =	shalt  }
0x70: {  	_ =	shalt  }
0x71: {  	_ =	shalt  }
0x72: {  	_ =	shalt  }
0x73: {  	_ =	shalt  }
0x74: {  	_ =	shalt  }
0x75: {  	_ =	shalt  }
0x76: {  	_ =	shalt  }
0x77: {  	_ =	shalt  }
0x78: {  	_ =	shalt  }
0x79: {  	_ =	shalt  }
0x7a: {  	_ =	shalt  }
0x7b: {  	_ =	shalt  }
0x7c: {  	_ =	shalt  }
0x7d: {  	_ =	shalt  }
0x7e: {  	_ =	shalt  }
0x7f: {  	_ =	shalt  }
0x80: {  	_ =	shalt  }
0x81: {  	_ =	shalt  }
0x82: {  	_ =	shalt  }
0x83: {  	_ =	shalt  }
0x84: {  	_ =	shalt  }
0x85: {  	_ =	shalt  }
0x86: {  	_ =	shalt  }
0x87: {  	_ =	shalt  }
.Lfunc_end0:
.L_simem_size_0:
called_computation_lowered:
.L_overlay_start_0:
0x88: {  	s2 =	sld [smem:$0x3FD9]  }
0x89: {  	s3 =	sld [smem:$0x3FFE];
	_ =	sdelay $0x1  }
0x8a: {  	s1 =	srdreg.scid  }
0x8b: {  	s0 =	sand.u32 $0x1, s1  }
0x8c: {  	s17 =	sshll.u32 s0, $0xA;
	s2 =	sadd.s32 s3, s2  }
0x8d: {  	s2 =	sadd.s32 s2, s17  }
0x8e: {  	[smem:$0x3FC5] =	sst s2  }
0x8f: {  	_ = 	snop  }
0x90: {  	s2 =	sld [smem:$0x3FC9]  }
0x91: {  	s18 =	sld [smem:$0x3FC8]  }
0x92: {  	s4 =	sld [smem:$0x3FC7];
	(tm) =	ssettm $0x1  }
0x93: {  	s5 =	sld [smem:$0x3FFB];
	_ =	sdelay $0x3  }
0x94: {  	_ =	strace s5  }
0x95: {  	s5 =	sld [smem:$0x3FFC];
	_ =	sdelay $0x3  }
0x96: {  	_ =	strace s5  }
0x97: {  	s5 =	sld [smem:$0x3FFD];
	_ =	sdelay $0x3  }
0x98: {  	_ =	strace s5  }
0x99: {  	_ =	strace $0x8FFFFFFF  }
0x9a: {  	s19 =	sld [smem:$0x3FDB];
	_ =	sdelay $0x1  }
0x9b: {  	s6 =	simm.s32 $_scs_section_size  }
0x9c: {  	s7 =	simm.s32 $_size__tile_overlayer_lowered;
	s8 =	simm.s32 $_tile_overlayer_lowered  }
0x9d: {  	s22 =	simm.s32 $0x1BFF;
	s21 =	sshll.u32 s8, $0x1;
	s5 =	sadd.s32 s6, s19  }
0x9e: {  	s9 =	simm.s32 $0x0;
	s20 =	sshll.u32 s7, $0x1;
	s7 =	sadd.s32 s21, s5  }
0x9f: {  	[timem:s9], [sflag:s22] =	dma.local [hbm:s7], s20  }
0xa0: {  	_ =	swait.ge [sflag:s22], s20  }
0xa1: {  	s6 =	ssub.s32 $0x0, s20;
	[sflag:s22] =	ssyncset.done $0x0  }
0xa2: {  	[sflag:s22] =	ssyncadd.s32 s6;
	_ =	sdelay $0x1  }
0xa3: {  	s23 =	simm.s32 $0x1B8B  }
0xa4: {  	_ =	swait.ge [sflag:s23], $0x1  }
0xa5: {  	[sflag:s23] =	ssyncset.done $0x0  }
0xa6: {  	s25 =	simm.s32 $0x1B8E;
	s24 =	sld [smem:$0x3FFE];
	[sflag:s23] =	ssyncadd.s32 $0xFFFFFFFF  }
0xa7: {  	s26 =	simm.s32 $execute0_lowered;
	[smem:$0x3FD2] =	sst s25  }
0xa8: {  	s7 =	sshll.u32 s26, $0x1;
	_ =	strace $0x80000046;
	[dreg:$0x1] =	wrdreg $0xFFFFFFFF  }
0xa9: {  	s28 =	simm.s32 $_size_execute0_lowered;
	s5 =	sadd.s32 s5, s7;
	[dreg:$0x0] =	wrdreg $0x0  }
0xaa: {  	s7 =	sshll.u32 s28, $0x1;
	[dreg:$0x2] =	wrdreg s5  }
0xab: {  	[dreg:$0x3] =	wrdreg s7  }
0xac: {  	[dreg:$0x4] =	wrdreg $0xC0  }
0xad: {  	_ =	task [dreg:s9], $0x5FFFF  }
0xae: {  	[dreg:$0x1] =	wrdreg $0xFFFFFFFF  }
0xaf: {  	[dreg:$0x0] =	wrdreg $0x60  }
0xb0: {  	[dreg:$0x2] =	wrdreg s2  }
0xb1: {  	[dreg:$0x3] =	wrdreg s18  }
0xb2: {  	[dreg:$0x4] =	wrdreg s4  }
0xb3: {  	[dreg:$0x5] =	wrdreg s24  }
0xb4: {  	[dreg:$0x6] =	wrdreg $0x9  }
0xb5: {  	_ =	task.clear_ibuf [dreg:s9], $0x7FFFF;
	_ =	strace $0x90000046  }
0xb6: {  	s29 =	simm.s32 $0x9;
	_ =	strace $0x80000048  }
0xb7: {  	_ =	swait.ge [sflag:s29], $0x1  }
0xb8: {  	[sflag:s29] =	ssyncadd.s32 $0xFFFFFFFF  }
0xb9: {  	_ =	strace $0x90000048  }
0xba: {  	_ =	sfence  }
0xbb: {  	s30 =	sld [smem:$0x0];
	_ =	sdelay $0x2  }
0xbc: {  	s31 =	sshll.u32 s1, $0xD;
	s1 =	sshrl.u32 s1, $0x2  }
0xbd: {  	s3 =	sand.u32 $0x4000, s31;
	s1 =	sadd.s32 s1, s30  }
0xbe: {  	s0 =	sor.u32 s3, s0;
	s1 =	sshll.u32 s1, $0x11  }
0xbf: {  	s0 =	sor.u32 s1, s0  }
0xc0: {  	s0 =	sadd.s32 $0x8F2B, s0  }
0xc1: {  	[sflag:s0] =	ssyncadd.remote.s32 $0x1  }
0xc2: {  	_ =	sfence.sel $0xFFFF  }
0xc3: {  	[dreg:$0x0] =	wrdreg $0xFFFFFFFF;
	(pc) =	sbr.abs _section_cstart, $3  }
0xc4: {  	[dreg:$0x1] =	wrdreg $0xFFFFFFFF  }
0xc5: {  	_ =	task.clear_ibuf [dreg:s9], $0x2FFFF;
	_ =	strace $0x9FFFFFFF  }
0xc6: {  	(tm) =	ssettm $0x7FFFFFFF  }
0xc7: {  	_ =	shalt  }
tec
execute0_lowered:
.L_overlay_start_1:
0x0: {  	(tag) =	ssettag $0x1  }
0x1: {  	s0 =	rddreg [dreg:$0x0]  }
0x2: {  	s1 =	rddreg [dreg:$0x1]  }
0x3: {  	s8 =	rddreg [dreg:$0x2];
	s2 =	srdreg.scid  }
0x4: {  	s3 =	rddreg [dreg:$0x3];
	s5 =	stileid.u32;
	s4 =	sand.u32 $0x1, s2  }
0x5: {  	s2 =	simm.s32 $0x0;
	s5 =	sshll.u32 s5, $0xA;
	s6 =	sshll.u32 s4, $0x9  }
0x6: {  	[smem:$0x7FF] =	sst s2;
	s4 =	ssub.s32 $0x2, s4;
	s6 =	sor.u32 s6, s5  }
0x7: {  	_ =	strace $0x80000047;
	s29 =	sshrl.u32 s4, $0x1;
	s7 =	sor.u32 $0x1C000, s6  }
0x8: {  	s10 =	sadd.s32 s6, s3;
	s11 =	ssub.s32 s4, s29;
	s9 =	sor.u32 $0x1C100, s6  }
0x9: {  	s3 =	sadd.s32 s0, s7;
	s4 =	sadd.s32 s1, s7;
	s30 =	smax.u32 s11, $0x1  }
0xa: {  	s5 =	sadd.s32 s8, s7;
	[dreg:$0x5] =	wrdreg s30;
	s31 =	sadd.s32 $0x10, s3  }
0xb: {  	s7 =	sadd.s32 s1, s9;
	s1 =	sadd.s32 $0x20, s3;
	[dreg:$0x6] =	wrdreg s31  }
0xc: {  	s11 =	sadd.s32 $0x30, s3;
	[dreg:$0x7] =	wrdreg s1  }
0xd: {  	s12 =	sadd.s32 $0x40, s3;
	[dreg:$0x8] =	wrdreg s11  }
0xe: {  	s13 =	sadd.s32 $0x50, s3;
	[dreg:$0x9] =	wrdreg s12  }
0xf: {  	s14 =	sadd.s32 $0x60, s3;
	[dreg:$0xa] =	wrdreg s13  }
0x10: {  	s15 =	sadd.s32 $0x70, s3;
	[dreg:$0xb] =	wrdreg s14  }
0x11: {  	s16 =	sadd.s32 $0x80, s3;
	[dreg:$0xc] =	wrdreg s15  }
0x12: {  	s17 =	sadd.s32 $0x90, s3;
	[dreg:$0xd] =	wrdreg s16  }
0x13: {  	s18 =	sadd.s32 $0xA0, s3;
	[dreg:$0xe] =	wrdreg s17  }
0x14: {  	s19 =	sadd.s32 $0xB0, s3;
	[dreg:$0xf] =	wrdreg s18  }
0x15: {  	s20 =	sadd.s32 $0xC0, s3;
	[dreg:$0x10] =	wrdreg s19  }
0x16: {  	s21 =	sadd.s32 $0xD0, s3;
	[dreg:$0x11] =	wrdreg s20  }
0x17: {  	s22 =	sadd.s32 $0xE0, s3;
	[dreg:$0x12] =	wrdreg s21  }
0x18: {  	s23 =	sadd.s32 $0xF0, s3;
	[dreg:$0x13] =	wrdreg s22  }
0x19: {  	s24 =	sadd.s32 $0x10, s4;
	[dreg:$0x14] =	wrdreg s23  }
0x1a: {  	s25 =	sadd.s32 $0x20, s4;
	[dreg:$0x15] =	wrdreg s24  }
0x1b: {  	s26 =	sadd.s32 $0x30, s4;
	[dreg:$0x16] =	wrdreg s25  }
0x1c: {  	s28 =	sadd.s32 $0x40, s4;
	[dreg:$0x17] =	wrdreg s26  }
0x1d: {  	s29 =	sadd.s32 $0x50, s4;
	[dreg:$0x18] =	wrdreg s28  }
0x1e: {  	s30 =	sadd.s32 $0x60, s4;
	[dreg:$0x19] =	wrdreg s29  }
0x1f: {  	[dreg:$0x1a] =	wrdreg s30;
	s31 =	sadd.s32 $0x70, s4  }
0x20: {  	s1 =	sadd.s32 $0x80, s4;
	[dreg:$0x1b] =	wrdreg s31  }
0x21: {  	s11 =	sadd.s32 $0x90, s4;
	[dreg:$0x1c] =	wrdreg s1  }
0x22: {  	s12 =	sadd.s32 $0xA0, s4;
	[dreg:$0x1d] =	wrdreg s11  }
0x23: {  	s13 =	sadd.s32 $0xB0, s4;
	[dreg:$0x1e] =	wrdreg s12  }
0x24: {  	s14 =	sadd.s32 $0xC0, s4;
	[dreg:$0x1f] =	wrdreg s13  }
0x25: {  	s15 =	sadd.s32 $0xD0, s4;
	[smem:$0x7C3] =	sst s14  }
0x26: {  	s16 =	sadd.s32 $0xE0, s4;
	[smem:$0x7C4] =	sst s15  }
0x27: {  	s17 =	sadd.s32 $0xF0, s4;
	[smem:$0x7C5] =	sst s16  }
0x28: {  	s18 =	sadd.s32 $0x10, s5;
	[smem:$0x7C6] =	sst s17  }
0x29: {  	s19 =	sadd.s32 $0x20, s5;
	[smem:$0x7C7] =	sst s18  }
0x2a: {  	s20 =	sadd.s32 $0x30, s5;
	[smem:$0x7C8] =	sst s19  }
0x2b: {  	s21 =	sadd.s32 $0x40, s5;
	[smem:$0x7C9] =	sst s20  }
0x2c: {  	s22 =	sadd.s32 $0x50, s5;
	[smem:$0x7CA] =	sst s21  }
0x2d: {  	s23 =	sadd.s32 $0x60, s5;
	[smem:$0x7CB] =	sst s22  }
0x2e: {  	s24 =	sadd.s32 $0x70, s5;
	[smem:$0x7CC] =	sst s23  }
0x2f: {  	s25 =	sadd.s32 $0x80, s5;
	[smem:$0x7CD] =	sst s24  }
0x30: {  	s26 =	sadd.s32 $0x90, s5;
	[smem:$0x7CE] =	sst s25  }
0x31: {  	s28 =	sadd.s32 $0xA0, s5;
	[smem:$0x7CF] =	sst s26  }
0x32: {  	s29 =	sadd.s32 $0xB0, s5;
	[smem:$0x7D0] =	sst s28  }
0x33: {  	s30 =	sadd.s32 $0xC0, s5;
	[smem:$0x7D1] =	sst s29  }
0x34: {  	[smem:$0x7D2] =	sst s30;
	s31 =	sadd.s32 $0xD0, s5  }
0x35: {  	s1 =	sadd.s32 $0xE0, s5;
	[smem:$0x7D3] =	sst s31  }
0x36: {  	s6 =	sadd.s32 s0, s9;
	s11 =	sadd.s32 $0xF0, s5;
	[smem:$0x7D4] =	sst s1  }
0x37: {  	s12 =	sadd.s32 $0x10, s6;
	[smem:$0x7D5] =	sst s11  }
0x38: {  	s13 =	sadd.s32 $0x20, s6;
	[smem:$0x7D6] =	sst s12  }
0x39: {  	s14 =	sadd.s32 $0x30, s6;
	[smem:$0x7D7] =	sst s13  }
0x3a: {  	s15 =	sadd.s32 $0x40, s6;
	[smem:$0x7D8] =	sst s14  }
0x3b: {  	s16 =	sadd.s32 $0x50, s6;
	[smem:$0x7D9] =	sst s15  }
0x3c: {  	s17 =	sadd.s32 $0x60, s6;
	[smem:$0x7DA] =	sst s16  }
0x3d: {  	s18 =	sadd.s32 $0x70, s6;
	[smem:$0x7DB] =	sst s17  }
0x3e: {  	s19 =	sadd.s32 $0x80, s6;
	[smem:$0x7DC] =	sst s18  }
0x3f: {  	s20 =	sadd.s32 $0x90, s6;
	[smem:$0x7DD] =	sst s19  }
0x40: {  	s21 =	sadd.s32 $0xA0, s6;
	[smem:$0x7DE] =	sst s20  }
0x41: {  	s22 =	sadd.s32 $0xB0, s6;
	[smem:$0x7DF] =	sst s21  }
0x42: {  	s23 =	sadd.s32 $0xC0, s6;
	[smem:$0x7E0] =	sst s22  }
0x43: {  	s24 =	sadd.s32 $0xD0, s6;
	[smem:$0x7E1] =	sst s23  }
0x44: {  	s25 =	sadd.s32 $0xE0, s6;
	[smem:$0x7E2] =	sst s24  }
0x45: {  	s26 =	sadd.s32 $0xF0, s6;
	[smem:$0x7E3] =	sst s25  }
0x46: {  	s28 =	sadd.s32 $0x10, s7;
	[smem:$0x7E4] =	sst s26  }
0x47: {  	s29 =	sadd.s32 $0x20, s7;
	[smem:$0x7E5] =	sst s28  }
0x48: {  	s30 =	sadd.s32 $0x30, s7;
	[smem:$0x7E6] =	sst s29  }
0x49: {  	[smem:$0x7E7] =	sst s30;
	s31 =	sadd.s32 $0x40, s7  }
0x4a: {  	s1 =	sadd.s32 $0x50, s7;
	[smem:$0x7E8] =	sst s31  }
0x4b: {  	s11 =	sadd.s32 $0x60, s7;
	[smem:$0x7E9] =	sst s1  }
0x4c: {  	s12 =	sadd.s32 $0x70, s7;
	[smem:$0x7EA] =	sst s11  }
0x4d: {  	s13 =	sadd.s32 $0x80, s7;
	[smem:$0x7EB] =	sst s12  }
0x4e: {  	s14 =	sadd.s32 $0x90, s7;
	[smem:$0x7EC] =	sst s13  }
0x4f: {  	s15 =	sadd.s32 $0xA0, s7;
	[smem:$0x7ED] =	sst s14  }
0x50: {  	s16 =	sadd.s32 $0xB0, s7;
	[smem:$0x7EE] =	sst s15  }
0x51: {  	s17 =	sadd.s32 $0xC0, s7;
	[smem:$0x7EF] =	sst s16  }
0x52: {  	s18 =	sadd.s32 $0xD0, s7;
	[smem:$0x7F0] =	sst s17  }
0x53: {  	s19 =	sadd.s32 $0xE0, s7;
	[smem:$0x7F1] =	sst s18  }
0x54: {  	s8 =	sadd.s32 s8, s9;
	s20 =	sadd.s32 $0xF0, s7;
	[smem:$0x7F2] =	sst s19  }
0x55: {  	s21 =	sadd.s32 $0x10, s8;
	[smem:$0x7F3] =	sst s20  }
0x56: {  	s22 =	sadd.s32 $0x20, s8;
	[smem:$0x7F4] =	sst s21  }
0x57: {  	s23 =	sadd.s32 $0x30, s8;
	[smem:$0x7F5] =	sst s22  }
0x58: {  	s24 =	sadd.s32 $0x40, s8;
	[smem:$0x7F6] =	sst s23  }
0x59: {  	s25 =	sadd.s32 $0x50, s8;
	[smem:$0x7F7] =	sst s24  }
0x5a: {  	s26 =	sadd.s32 $0x60, s8;
	[smem:$0x7F8] =	sst s25  }
0x5b: {  	s9 =	sadd.s32 $0xA00, s10;
	s28 =	sadd.s32 $0x70, s8;
	[smem:$0x7F9] =	sst s26  }
0x5c: {  	s10 =	sadd.s32 $0xB00, s10;
	s29 =	sadd.s32 $0x80, s8;
	[smem:$0x7FA] =	sst s28  }
0x5d: {  	s0 =	sadd.s32 $0xB0, s8;
	s30 =	sadd.s32 $0x90, s8;
	[smem:$0x7FB] =	sst s29  }
0x5e: {  	[smem:$0x7FC] =	sst s30;
	s31 =	sadd.s32 $0xA0, s8;
	s1 =	sadd.s32 $0xC0, s8  }
0x5f: {  	s11 =	sadd.s32 $0xD0, s8;
	s12 =	sadd.s32 $0xE0, s8;
	s13 =	sadd.s32 $0xF0, s8  }
0x60: {  	s14 =	simm.s32 $0x1;
	s15 =	simm.s32 $0x2;
	s16 =	simm.s32 $0x3  }
0x61: {  	s17 =	simm.s32 $0x4;
	s18 =	simm.s32 $0x0;
	[smem:$0x7FD] =	sst s31  }
.LBB2_1:
0x62: {  	[tilespmem:s2], [sflag:$0x1] =	stream.linear.gather [hbm4b:s3+s2], $0x80, $0x38;
	[tilespmem:$0x4000] =	vst v63  }
0x63: {  	s19 =	rddreg [dreg:$0x6];
	s20 =	simm.s32 $0x100  }
0x64: {  	[tilespmem:s20], [sflag:$0x1] =	stream.linear.gather [hbm4b:s19+s2], $0x80, $0x38;
	[tilespmem:$0x4000] =	vst v63  }
0x65: {  	s25 =	rddreg [dreg:$0x7];
	s26 =	simm.s32 $0x200  }
0x66: {  	[tilespmem:s26], [sflag:$0x1] =	stream.linear.gather [hbm4b:s25+s2], $0x80, $0x38;
	[tilespmem:$0x4000] =	vst v63  }
0x67: {  	s28 =	rddreg [dreg:$0x8];
	s29 =	simm.s32 $0x300  }
0x68: {  	[tilespmem:s29], [sflag:$0x1] =	stream.linear.gather [hbm4b:s28+s2], $0x80, $0x38;
	[tilespmem:$0x4000] =	vst v63  }
0x69: {  	s30 =	rddreg [dreg:$0x9];
	s31 =	simm.s32 $0x400  }
0x6a: {  	[tilespmem:s31], [sflag:$0x1] =	stream.linear.gather [hbm4b:s30+s2], $0x80, $0x38;
	[tilespmem:$0x4000] =	vst v63  }
0x6b: {  	s21 =	rddreg [dreg:$0xa];
	s22 =	simm.s32 $0x500  }
0x6c: {  	[tilespmem:s22], [sflag:$0x1] =	stream.linear.gather [hbm4b:s21+s2], $0x80, $0x38;
	[tilespmem:$0x4000] =	vst v63  }
0x6d: {  	s23 =	rddreg [dreg:$0xb];
	s24 =	simm.s32 $0x600  }
0x6e: {  	[tilespmem:s24], [sflag:$0x1] =	stream.linear.gather [hbm4b:s23+s2], $0x80, $0x38;
	[tilespmem:$0x4000] =	vst v63  }
0x6f: {  	s25 =	rddreg [dreg:$0xc];
	s26 =	simm.s32 $0x700  }
0x70: {  	[tilespmem:s26], [sflag:$0x1] =	stream.linear.gather [hbm4b:s25+s2], $0x80, $0x38;
	[tilespmem:$0x4000] =	vst v63  }
0x71: {  	s28 =	rddreg [dreg:$0xd];
	s29 =	simm.s32 $0x800  }
0x72: {  	[tilespmem:s29], [sflag:$0x1] =	stream.linear.gather [hbm4b:s28+s2], $0x80, $0x38;
	[tilespmem:$0x4000] =	vst v63  }
0x73: {  	s30 =	rddreg [dreg:$0xe];
	s31 =	simm.s32 $0x900  }
0x74: {  	[tilespmem:s31], [sflag:$0x1] =	stream.linear.gather [hbm4b:s30+s2], $0x80, $0x38;
	[tilespmem:$0x4000] =	vst v63  }
0x75: {  	s21 =	rddreg [dreg:$0xf];
	s22 =	simm.s32 $0xA00  }
0x76: {  	[tilespmem:s22], [sflag:$0x1] =	stream.linear.gather [hbm4b:s21+s2], $0x80, $0x38;
	[tilespmem:$0x4000] =	vst v63  }
0x77: {  	s23 =	rddreg [dreg:$0x10];
	s24 =	simm.s32 $0xB00  }
0x78: {  	[tilespmem:s24], [sflag:$0x1] =	stream.linear.gather [hbm4b:s23+s2], $0x80, $0x38;
	[tilespmem:$0x4000] =	vst v63  }
0x79: {  	s25 =	rddreg [dreg:$0x11];
	s26 =	simm.s32 $0xC00  }
0x7a: {  	[tilespmem:s26], [sflag:$0x1] =	stream.linear.gather [hbm4b:s25+s2], $0x80, $0x38;
	[tilespmem:$0x4000] =	vst v63  }
0x7b: {  	s28 =	rddreg [dreg:$0x12];
	s29 =	simm.s32 $0xD00  }
0x7c: {  	[tilespmem:s29], [sflag:$0x1] =	stream.linear.gather [hbm4b:s28+s2], $0x80, $0x38;
	[tilespmem:$0x4000] =	vst v63  }
0x7d: {  	s30 =	rddreg [dreg:$0x13];
	s31 =	simm.s32 $0xE00  }
0x7e: {  	[tilespmem:s31], [sflag:$0x1] =	stream.linear.gather [hbm4b:s30+s2], $0x80, $0x38;
	[tilespmem:$0x4000] =	vst v63  }
0x7f: {  	s20 =	rddreg [dreg:$0x14];
	s21 =	simm.s32 $0xF00  }
0x80: {  	[tilespmem:s21], [sflag:$0x1] =	stream.linear.gather [hbm4b:s20+s2], $0x80, $0x38;
	[tilespmem:$0x4000] =	vst v63  }
0x81: {  	s22 =	simm.s32 $0x1000;
	s23 =	rddreg [dreg:$0x15]  }
0x82: {  	[tilespmem:s22], [sflag:$0x1] =	stream.linear.gather [hbm4b:s4+s2], $0x80, $0x38;
	[tilespmem:$0x4000] =	vst v63  }
0x83: {  	s24 =	simm.s32 $0x1100;
	s25 =	rddreg [dreg:$0x16]  }
0x84: {  	[tilespmem:s24], [sflag:$0x1] =	stream.linear.gather [hbm4b:s23+s2], $0x80, $0x38;
	[tilespmem:$0x4000] =	vst v63  }
0x85: {  	s26 =	simm.s32 $0x1200;
	s28 =	rddreg [dreg:$0x17]  }
0x86: {  	[tilespmem:s26], [sflag:$0x1] =	stream.linear.gather [hbm4b:s25+s2], $0x80, $0x38;
	[tilespmem:$0x4000] =	vst v63  }
0x87: {  	s29 =	simm.s32 $0x1300;
	s30 =	rddreg [dreg:$0x18]  }
0x88: {  	[tilespmem:s29], [sflag:$0x1] =	stream.linear.gather [hbm4b:s28+s2], $0x80, $0x38;
	[tilespmem:$0x4000] =	vst v63  }
0x89: {  	s31 =	simm.s32 $0x1400;
	s21 =	rddreg [dreg:$0x19]  }
0x8a: {  	[tilespmem:s31], [sflag:$0x1] =	stream.linear.gather [hbm4b:s30+s2], $0x80, $0x38;
	[tilespmem:$0x4000] =	vst v63  }
0x8b: {  	s22 =	simm.s32 $0x1500;
	s23 =	rddreg [dreg:$0x1a]  }
0x8c: {  	[tilespmem:s22], [sflag:$0x1] =	stream.linear.gather [hbm4b:s21+s2], $0x80, $0x38;
	[tilespmem:$0x4000] =	vst v63  }
0x8d: {  	s24 =	simm.s32 $0x1600;
	s25 =	rddreg [dreg:$0x1b]  }
0x8e: {  	[tilespmem:s24], [sflag:$0x1] =	stream.linear.gather [hbm4b:s23+s2], $0x80, $0x38;
	[tilespmem:$0x4000] =	vst v63  }
0x8f: {  	s26 =	simm.s32 $0x1700;
	s28 =	rddreg [dreg:$0x1c]  }
0x90: {  	[tilespmem:s26], [sflag:$0x1] =	stream.linear.gather [hbm4b:s25+s2], $0x80, $0x38;
	[tilespmem:$0x4000] =	vst v63  }
0x91: {  	s29 =	simm.s32 $0x1800;
	s30 =	rddreg [dreg:$0x1d]  }
0x92: {  	[tilespmem:s29], [sflag:$0x1] =	stream.linear.gather [hbm4b:s28+s2], $0x80, $0x38;
	[tilespmem:$0x4000] =	vst v63  }
0x93: {  	s31 =	simm.s32 $0x1900;
	s21 =	rddreg [dreg:$0x1e]  }
0x94: {  	[tilespmem:s31], [sflag:$0x1] =	stream.linear.gather [hbm4b:s30+s2], $0x80, $0x38;
	[tilespmem:$0x4000] =	vst v63  }
0x95: {  	s22 =	simm.s32 $0x1A00;
	s23 =	rddreg [dreg:$0x1f]  }
0x96: {  	[tilespmem:s22], [sflag:$0x1] =	stream.linear.gather [hbm4b:s21+s2], $0x80, $0x38;
	[tilespmem:$0x4000] =	vst v63  }
0x97: {  	s24 =	simm.s32 $0x1B00;
	s25 =	sld [smem:$0x7C3]  }
0x98: {  	[tilespmem:s24], [sflag:$0x1] =	stream.linear.gather [hbm4b:s23+s2], $0x80, $0x38;
	[tilespmem:$0x4000] =	vst v63  }
0x99: {  	s26 =	simm.s32 $0x1C00;
	s28 =	sld [smem:$0x7C4]  }
0x9a: {  	[tilespmem:s26], [sflag:$0x1] =	stream.linear.gather [hbm4b:s25+s2], $0x80, $0x38;
	[tilespmem:$0x4000] =	vst v63  }
0x9b: {  	s29 =	simm.s32 $0x1D00;
	s30 =	sld [smem:$0x7C5]  }
0x9c: {  	[tilespmem:s29], [sflag:$0x1] =	stream.linear.gather [hbm4b:s28+s2], $0x80, $0x38;
	[tilespmem:$0x4000] =	vst v63  }
0x9d: {  	s20 =	sld [smem:$0x7C6];
	s31 =	simm.s32 $0x1E00  }
0x9e: {  	[tilespmem:s31], [sflag:$0x1] =	stream.linear.gather [hbm4b:s30+s2], $0x80, $0x38;
	[tilespmem:$0x4000] =	vst v63  }
0x9f: {  	s21 =	simm.s32 $0x1F00  }
0xa0: {  	[tilespmem:s21], [sflag:$0x1] =	stream.linear.gather [hbm4b:s20+s2], $0x80, $0x38;
	[tilespmem:$0x4000] =	vst v63  }
0xa1: {  	s22 =	simm.s32 $0x2000;
	s23 =	sld [smem:$0x7C7]  }
0xa2: {  	[tilespmem:s22], [sflag:$0x1] =	stream.linear.gather [hbm4b:s5+s2], $0x80, $0x38;
	[tilespmem:$0x4000] =	vst v63  }
0xa3: {  	s24 =	simm.s32 $0x2100;
	s25 =	sld [smem:$0x7C8]  }
0xa4: {  	[tilespmem:s24], [sflag:$0x1] =	stream.linear.gather [hbm4b:s23+s2], $0x80, $0x38;
	[tilespmem:$0x4000] =	vst v63  }
0xa5: {  	s26 =	simm.s32 $0x2200;
	s28 =	sld [smem:$0x7C9]  }
0xa6: {  	[tilespmem:s26], [sflag:$0x1] =	stream.linear.gather [hbm4b:s25+s2], $0x80, $0x38;
	[tilespmem:$0x4000] =	vst v63  }
0xa7: {  	s29 =	simm.s32 $0x2300;
	s30 =	sld [smem:$0x7CA]  }
0xa8: {  	[tilespmem:s29], [sflag:$0x1] =	stream.linear.gather [hbm4b:s28+s2], $0x80, $0x38;
	[tilespmem:$0x4000] =	vst v63  }
0xa9: {  	s31 =	simm.s32 $0x2400;
	s21 =	sld [smem:$0x7CB]  }
0xaa: {  	[tilespmem:s31], [sflag:$0x1] =	stream.linear.gather [hbm4b:s30+s2], $0x80, $0x38;
	[tilespmem:$0x4000] =	vst v63  }
0xab: {  	s22 =	simm.s32 $0x2500;
	s23 =	sld [smem:$0x7CC]  }
0xac: {  	[tilespmem:s22], [sflag:$0x1] =	stream.linear.gather [hbm4b:s21+s2], $0x80, $0x38;
	[tilespmem:$0x4000] =	vst v63  }
0xad: {  	s24 =	simm.s32 $0x2600;
	s25 =	sld [smem:$0x7CD]  }
0xae: {  	[tilespmem:s24], [sflag:$0x1] =	stream.linear.gather [hbm4b:s23+s2], $0x80, $0x38;
	[tilespmem:$0x4000] =	vst v63  }
0xaf: {  	s26 =	simm.s32 $0x2700;
	s28 =	sld [smem:$0x7CE]  }
0xb0: {  	[tilespmem:s26], [sflag:$0x1] =	stream.linear.gather [hbm4b:s25+s2], $0x80, $0x38;
	[tilespmem:$0x4000] =	vst v63  }
0xb1: {  	s29 =	simm.s32 $0x2800;
	s30 =	sld [smem:$0x7CF]  }
0xb2: {  	[tilespmem:s29], [sflag:$0x1] =	stream.linear.gather [hbm4b:s28+s2], $0x80, $0x38;
	[tilespmem:$0x4000] =	vst v63  }
0xb3: {  	s31 =	simm.s32 $0x2900;
	s21 =	sld [smem:$0x7D0]  }
0xb4: {  	[tilespmem:s31], [sflag:$0x1] =	stream.linear.gather [hbm4b:s30+s2], $0x80, $0x38;
	[tilespmem:$0x4000] =	vst v63  }
0xb5: {  	s22 =	simm.s32 $0x2A00;
	s23 =	sld [smem:$0x7D1]  }
0xb6: {  	[tilespmem:s22], [sflag:$0x1] =	stream.linear.gather [hbm4b:s21+s2], $0x80, $0x38;
	[tilespmem:$0x4000] =	vst v63  }
0xb7: {  	s24 =	simm.s32 $0x2B00;
	s25 =	sld [smem:$0x7D2]  }
0xb8: {  	[tilespmem:s24], [sflag:$0x1] =	stream.linear.gather [hbm4b:s23+s2], $0x80, $0x38;
	[tilespmem:$0x4000] =	vst v63  }
0xb9: {  	s26 =	simm.s32 $0x2C00;
	s28 =	sld [smem:$0x7D3]  }
0xba: {  	[tilespmem:s26], [sflag:$0x1] =	stream.linear.gather [hbm4b:s25+s2], $0x80, $0x38;
	[tilespmem:$0x4000] =	vst v63  }
0xbb: {  	s29 =	simm.s32 $0x2D00;
	s30 =	sld [smem:$0x7D4]  }
0xbc: {  	[tilespmem:s29], [sflag:$0x1] =	stream.linear.gather [hbm4b:s28+s2], $0x80, $0x38;
	[tilespmem:$0x4000] =	vst v63  }
0xbd: {  	s20 =	sld [smem:$0x7D5];
	s31 =	simm.s32 $0x2E00  }
0xbe: {  	[tilespmem:s31], [sflag:$0x1] =	stream.linear.gather [hbm4b:s30+s2], $0x80, $0x38;
	[tilespmem:$0x4000] =	vst v63  }
0xbf: {  	s21 =	simm.s32 $0x2F00  }
0xc0: {  	[tilespmem:s21], [sflag:$0x1] =	stream.linear.gather [hbm4b:s20+s2], $0x80, $0x38;
	[tilespmem:$0x4000] =	vst v63  }
0xc1: {  	s22 =	simm.s32 $0x80;
	s23 =	sld [smem:$0x7D6]  }
0xc2: {  	[tilespmem:s22], [sflag:$0x2] =	stream.linear.gather [hbm4b:s6+s2], $0x80, $0x38;
	[tilespmem:$0x4000] =	vst v63  }
0xc3: {  	s24 =	simm.s32 $0x180;
	s25 =	sld [smem:$0x7D7]  }
0xc4: {  	[tilespmem:s24], [sflag:$0x2] =	stream.linear.gather [hbm4b:s23+s2], $0x80, $0x38;
	[tilespmem:$0x4000] =	vst v63  }
0xc5: {  	s26 =	simm.s32 $0x280;
	s28 =	sld [smem:$0x7D8]  }
0xc6: {  	[tilespmem:s26], [sflag:$0x2] =	stream.linear.gather [hbm4b:s25+s2], $0x80, $0x38;
	[tilespmem:$0x4000] =	vst v63  }
0xc7: {  	s29 =	simm.s32 $0x380;
	s30 =	sld [smem:$0x7D9]  }
0xc8: {  	[tilespmem:s29], [sflag:$0x2] =	stream.linear.gather [hbm4b:s28+s2], $0x80, $0x38;
	[tilespmem:$0x4000] =	vst v63  }
0xc9: {  	s31 =	simm.s32 $0x480;
	s21 =	sld [smem:$0x7DA]  }
0xca: {  	[tilespmem:s31], [sflag:$0x2] =	stream.linear.gather [hbm4b:s30+s2], $0x80, $0x38;
	[tilespmem:$0x4000] =	vst v63  }
0xcb: {  	s22 =	simm.s32 $0x580;
	s23 =	sld [smem:$0x7DB]  }
0xcc: {  	[tilespmem:s22], [sflag:$0x2] =	stream.linear.gather [hbm4b:s21+s2], $0x80, $0x38;
	[tilespmem:$0x4000] =	vst v63  }
0xcd: {  	s24 =	simm.s32 $0x680;
	s25 =	sld [smem:$0x7DC]  }
0xce: {  	[tilespmem:s24], [sflag:$0x2] =	stream.linear.gather [hbm4b:s23+s2], $0x80, $0x38;
	[tilespmem:$0x4000] =	vst v63  }
0xcf: {  	s26 =	simm.s32 $0x780;
	s28 =	sld [smem:$0x7DD]  }
0xd0: {  	[tilespmem:s26], [sflag:$0x2] =	stream.linear.gather [hbm4b:s25+s2], $0x80, $0x38;
	[tilespmem:$0x4000] =	vst v63  }
0xd1: {  	s29 =	simm.s32 $0x880;
	s30 =	sld [smem:$0x7DE]  }
0xd2: {  	[tilespmem:s29], [sflag:$0x2] =	stream.linear.gather [hbm4b:s28+s2], $0x80, $0x38;
	[tilespmem:$0x4000] =	vst v63  }
0xd3: {  	s31 =	simm.s32 $0x980;
	s21 =	sld [smem:$0x7DF]  }
0xd4: {  	[tilespmem:s31], [sflag:$0x2] =	stream.linear.gather [hbm4b:s30+s2], $0x80, $0x38;
	[tilespmem:$0x4000] =	vst v63  }
0xd5: {  	s22 =	simm.s32 $0xA80;
	s23 =	sld [smem:$0x7E0]  }
0xd6: {  	[tilespmem:s22], [sflag:$0x2] =	stream.linear.gather [hbm4b:s21+s2], $0x80, $0x38;
	[tilespmem:$0x4000] =	vst v63  }
0xd7: {  	s24 =	simm.s32 $0xB80;
	s25 =	sld [smem:$0x7E1]  }
0xd8: {  	[tilespmem:s24], [sflag:$0x2] =	stream.linear.gather [hbm4b:s23+s2], $0x80, $0x38;
	[tilespmem:$0x4000] =	vst v63  }
0xd9: {  	s26 =	simm.s32 $0xC80;
	s28 =	sld [smem:$0x7E2]  }
0xda: {  	[tilespmem:s26], [sflag:$0x2] =	stream.linear.gather [hbm4b:s25+s2], $0x80, $0x38;
	[tilespmem:$0x4000] =	vst v63  }
0xdb: {  	s29 =	simm.s32 $0xD80;
	s30 =	sld [smem:$0x7E3]  }
0xdc: {  	[tilespmem:s29], [sflag:$0x2] =	stream.linear.gather [hbm4b:s28+s2], $0x80, $0x38;
	[tilespmem:$0x4000] =	vst v63  }
0xdd: {  	s20 =	sld [smem:$0x7E4];
	s31 =	simm.s32 $0xE80  }
0xde: {  	[tilespmem:s31], [sflag:$0x2] =	stream.linear.gather [hbm4b:s30+s2], $0x80, $0x38;
	[tilespmem:$0x4000] =	vst v63  }
0xdf: {  	s21 =	simm.s32 $0xF80  }
0xe0: {  	[tilespmem:s21], [sflag:$0x2] =	stream.linear.gather [hbm4b:s20+s2], $0x80, $0x38;
	[tilespmem:$0x4000] =	vst v63  }
0xe1: {  	s22 =	simm.s32 $0x1080;
	s23 =	sld [smem:$0x7E5]  }
0xe2: {  	[tilespmem:s22], [sflag:$0x2] =	stream.linear.gather [hbm4b:s7+s2], $0x80, $0x38;
	[tilespmem:$0x4000] =	vst v63  }
0xe3: {  	s24 =	simm.s32 $0x1180;
	s25 =	sld [smem:$0x7E6]  }
0xe4: {  	[tilespmem:s24], [sflag:$0x2] =	stream.linear.gather [hbm4b:s23+s2], $0x80, $0x38;
	[tilespmem:$0x4000] =	vst v63  }
0xe5: {  	s26 =	simm.s32 $0x1280;
	s28 =	sld [smem:$0x7E7]  }
0xe6: {  	[tilespmem:s26], [sflag:$0x2] =	stream.linear.gather [hbm4b:s25+s2], $0x80, $0x38;
	[tilespmem:$0x4000] =	vst v63  }
0xe7: {  	s29 =	simm.s32 $0x1380;
	s30 =	sld [smem:$0x7E8]  }
0xe8: {  	[tilespmem:s29], [sflag:$0x2] =	stream.linear.gather [hbm4b:s28+s2], $0x80, $0x38;
	[tilespmem:$0x4000] =	vst v63  }
0xe9: {  	s31 =	simm.s32 $0x1480;
	s21 =	sld [smem:$0x7E9]  }
0xea: {  	[tilespmem:s31], [sflag:$0x2] =	stream.linear.gather [hbm4b:s30+s2], $0x80, $0x38;
	[tilespmem:$0x4000] =	vst v63  }
0xeb: {  	s22 =	simm.s32 $0x1580;
	s23 =	sld [smem:$0x7EA]  }
0xec: {  	[tilespmem:s22], [sflag:$0x2] =	stream.linear.gather [hbm4b:s21+s2], $0x80, $0x38;
	[tilespmem:$0x4000] =	vst v63  }
0xed: {  	s24 =	simm.s32 $0x1680;
	s25 =	sld [smem:$0x7EB]  }
0xee: {  	[tilespmem:s24], [sflag:$0x2] =	stream.linear.gather [hbm4b:s23+s2], $0x80, $0x38;
	[tilespmem:$0x4000] =	vst v63  }
0xef: {  	s26 =	simm.s32 $0x1780;
	s28 =	sld [smem:$0x7EC]  }
0xf0: {  	[tilespmem:s26], [sflag:$0x2] =	stream.linear.gather [hbm4b:s25+s2], $0x80, $0x38;
	[tilespmem:$0x4000] =	vst v63  }
0xf1: {  	s29 =	simm.s32 $0x1880;
	s30 =	sld [smem:$0x7ED]  }
0xf2: {  	[tilespmem:s29], [sflag:$0x2] =	stream.linear.gather [hbm4b:s28+s2], $0x80, $0x38;
	[tilespmem:$0x4000] =	vst v63  }
0xf3: {  	s31 =	simm.s32 $0x1980;
	s21 =	sld [smem:$0x7EE]  }
0xf4: {  	[tilespmem:s31], [sflag:$0x2] =	stream.linear.gather [hbm4b:s30+s2], $0x80, $0x38;
	[tilespmem:$0x4000] =	vst v63  }
0xf5: {  	s22 =	simm.s32 $0x1A80;
	s23 =	sld [smem:$0x7EF]  }
0xf6: {  	[tilespmem:s22], [sflag:$0x2] =	stream.linear.gather [hbm4b:s21+s2], $0x80, $0x38;
	[tilespmem:$0x4000] =	vst v63  }
0xf7: {  	s24 =	simm.s32 $0x1B80;
	s25 =	sld [smem:$0x7F0]  }
0xf8: {  	[tilespmem:s24], [sflag:$0x2] =	stream.linear.gather [hbm4b:s23+s2], $0x80, $0x38;
	[tilespmem:$0x4000] =	vst v63  }
0xf9: {  	s26 =	simm.s32 $0x1C80;
	s28 =	sld [smem:$0x7F1]  }
0xfa: {  	[tilespmem:s26], [sflag:$0x2] =	stream.linear.gather [hbm4b:s25+s2], $0x80, $0x38;
	[tilespmem:$0x4000] =	vst v63  }
0xfb: {  	s29 =	simm.s32 $0x1D80;
	s30 =	sld [smem:$0x7F2]  }
0xfc: {  	[tilespmem:s29], [sflag:$0x2] =	stream.linear.gather [hbm4b:s28+s2], $0x80, $0x38;
	[tilespmem:$0x4000] =	vst v63  }
0xfd: {  	s20 =	sld [smem:$0x7F3];
	s31 =	simm.s32 $0x1E80  }
0xfe: {  	[tilespmem:s31], [sflag:$0x2] =	stream.linear.gather [hbm4b:s30+s2], $0x80, $0x38;
	[tilespmem:$0x4000] =	vst v63  }
0xff: {  	s21 =	simm.s32 $0x1F80  }
0x100: {  	[tilespmem:s21], [sflag:$0x2] =	stream.linear.gather [hbm4b:s20+s2], $0x80, $0x38;
	[tilespmem:$0x4000] =	vst v63  }
0x101: {  	s22 =	simm.s32 $0x2080;
	s23 =	sld [smem:$0x7F4]  }
0x102: {  	[tilespmem:s22], [sflag:$0x2] =	stream.linear.gather [hbm4b:s8+s2], $0x80, $0x38;
	[tilespmem:$0x4000] =	vst v63  }
0x103: {  	s24 =	simm.s32 $0x2180;
	s25 =	sld [smem:$0x7F5]  }
0x104: {  	[tilespmem:s24], [sflag:$0x2] =	stream.linear.gather [hbm4b:s23+s2], $0x80, $0x38;
	[tilespmem:$0x4000] =	vst v63  }
0x105: {  	s26 =	simm.s32 $0x2280;
	s28 =	sld [smem:$0x7F6]  }
0x106: {  	[tilespmem:s26], [sflag:$0x2] =	stream.linear.gather [hbm4b:s25+s2], $0x80, $0x38;
	[tilespmem:$0x4000] =	vst v63  }
0x107: {  	s29 =	simm.s32 $0x2380;
	s30 =	sld [smem:$0x7F7]  }
0x108: {  	[tilespmem:s29], [sflag:$0x2] =	stream.linear.gather [hbm4b:s28+s2], $0x80, $0x38;
	[tilespmem:$0x4000] =	vst v63  }
0x109: {  	s31 =	simm.s32 $0x2480;
	s21 =	sld [smem:$0x7F8]  }
0x10a: {  	[tilespmem:s31], [sflag:$0x2] =	stream.linear.gather [hbm4b:s30+s2], $0x80, $0x38;
	[tilespmem:$0x4000] =	vst v63  }
0x10b: {  	s22 =	simm.s32 $0x2580;
	s23 =	sld [smem:$0x7F9]  }
0x10c: {  	[tilespmem:s22], [sflag:$0x2] =	stream.linear.gather [hbm4b:s21+s2], $0x80, $0x38;
	[tilespmem:$0x4000] =	vst v63  }
0x10d: {  	s24 =	simm.s32 $0x2680;
	s25 =	sld [smem:$0x7FA]  }
0x10e: {  	[tilespmem:s24], [sflag:$0x2] =	stream.linear.gather [hbm4b:s23+s2], $0x80, $0x38;
	[tilespmem:$0x4000] =	vst v63  }
0x10f: {  	s26 =	simm.s32 $0x2780;
	s28 =	sld [smem:$0x7FB]  }
0x110: {  	[tilespmem:s26], [sflag:$0x2] =	stream.linear.gather [hbm4b:s25+s2], $0x80, $0x38;
	[tilespmem:$0x4000] =	vst v63  }
0x111: {  	s29 =	simm.s32 $0x2880;
	s30 =	sld [smem:$0x7FC]  }
0x112: {  	[tilespmem:s29], [sflag:$0x2] =	stream.linear.gather [hbm4b:s28+s2], $0x80, $0x38;
	[tilespmem:$0x4000] =	vst v63  }
0x113: {  	s20 =	sld [smem:$0x7FD];
	s31 =	simm.s32 $0x2980  }
0x114: {  	[tilespmem:s31], [sflag:$0x2] =	stream.linear.gather [hbm4b:s30+s2], $0x80, $0x38;
	[tilespmem:$0x4000] =	vst v63  }
0x115: {  	s21 =	simm.s32 $0x2A80  }
0x116: {  	[tilespmem:s21], [sflag:$0x2] =	stream.linear.gather [hbm4b:s20+s2], $0x80, $0x38;
	[tilespmem:$0x4000] =	vst v63  }
0x117: {  	s22 =	simm.s32 $0x2B80  }
0x118: {  	[tilespmem:s22], [sflag:$0x2] =	stream.linear.gather [hbm4b:s0+s2], $0x80, $0x38;
	[tilespmem:$0x4000] =	vst v63  }
0x119: {  	s23 =	simm.s32 $0x2C80  }
0x11a: {  	[tilespmem:s23], [sflag:$0x2] =	stream.linear.gather [hbm4b:s1+s2], $0x80, $0x38;
	[tilespmem:$0x4000] =	vst v63  }
0x11b: {  	s24 =	simm.s32 $0x2D80  }
0x11c: {  	[tilespmem:s24], [sflag:$0x2] =	stream.linear.gather [hbm4b:s11+s2], $0x80, $0x38;
	[tilespmem:$0x4000] =	vst v63  }
0x11d: {  	s25 =	simm.s32 $0x2E80  }
0x11e: {  	[tilespmem:s25], [sflag:$0x2] =	stream.linear.gather [hbm4b:s12+s2], $0x80, $0x38;
	[tilespmem:$0x4000] =	vst v63  }
0x11f: {  	s26 =	simm.s32 $0x2F80  }
0x120: {  	[tilespmem:s26], [sflag:$0x2] =	stream.linear.gather [hbm4b:s13+s2], $0x80, $0x38;
	[tilespmem:$0x4000] =	vst v63  }
0x121: {  	_ =	swait.ge [sflag:s14], $0x800  }
0x122: {  	[sflag:s14] =	ssyncset.done $0x0  }
0x123: {  	[sflag:s14] =	ssyncadd.s32 $0xFFFFF800  }
0x124: {  	_ =	swait.ge [sflag:s14], $0x800  }
0x125: {  	[sflag:s14] =	ssyncset.done $0x0  }
0x126: {  	[sflag:s14] =	ssyncadd.s32 $0xFFFFF800  }
0x127: {  	s28 =	simm.s32 $0x0;
	_ =	swait.ge [sflag:s14], $0x800  }
0x128: {  	s29 =	sand.u32 $0xF00, s2;
	s19 =	sand.u32 $0x40, s28;
	[sflag:s14] =	ssyncset.done $0x0  }
0x129: {  	s19 =	sor.u32 s19, s29;
	[sflag:s14] =	ssyncadd.s32 $0xFFFFF800  }
0x12a: {  	v0 =	vld [tilespmem:s19+$0x1030]  }
0x12b: {  	v1 =	vld [tilespmem:s19+$0x2030]  }
0x12c: {  	v2 =	vld [tilespmem:s19+$0x1000]  }
0x12d: {  	v3 =	vld [tilespmem:s19+$0x2000]  }
0x12e: {  	v4 =	vld [tilespmem:s19+$0x1010]  }
0x12f: {  	v5 =	vld [tilespmem:s19+$0x2010]  }
0x130: {  	v8 =	vld [tilespmem:s19+$0x1020]  }
0x131: {  	v16 =	vld [tilespmem:s19+$0x0]  }
0x132: {  	v21 =	vld [tilespmem:s19+$0x10]  }
0x133: {  	v27 =	vld [tilespmem:s19+$0x20];
	_ =	sdelay $0x1  }
0x134: {  	v6 =	vand.u32 $0x7FFFFF, v0  }
0x135: {  	v7 =	vand.u32 $0x7FFFFF, v1;
	v9 =	vand.u32 $0x7FFFFF, v2;
	v13 =	vand.u32 $0x7FFFFF, v3  }
0x136: {  	v14 =	vand.u32 $0x7FFFFF, v4;
	v17 =	vand.u32 $0x7FFFFF, v5;
	v16 =	vmul.f32 $4.000000000e+00, v16  }
0x137: {  	v19 =	vand.u32 $0x7FFFFF, v8;
	v21 =	vmul.f32 $4.000000000e+00, v21;
	v57 =	vmul.f32 $4.000000000e+00, v27  }
0x138: {  	v2 =	vshrl.u32 v2, $0x17;
	v4 =	vshrl.u32 v4, $0x17;
	v8 =	vshrl.u32 v8, $0x17  }
0x139: {  	v3 =	vshrl.u32 v3, $0x17;
	v6 =	vor.u32 $0x3F800000, v6;
	v7 =	vor.u32 $0x3F800000, v7  }
0x13a: {  	v5 =	vshrl.u32 v5, $0x17;
	v11 =	vadd.f32 $1.000000000e+00, v6;
	v12 =	vadd.f32 $1.000000000e+00, v7  }
0x13b: {  	v10 =	vld [tilespmem:s19+$0x2020];
	v0 =	vshrl.u32 v0, $0x17;
	v1 =	vshrl.u32 v1, $0x17;
	v9 =	vor.u32 $0x3F800000, v9  }
0x13c: {  	v13 =	vor.u32 $0x3F800000, v13;
	v14 =	vor.u32 $0x3F800000, v14;
	v15 =	vmul.f32 v12, v11  }
0x13d: {  	v17 =	vor.u32 $0x3F800000, v17;
	v2 =	vsub.s32 $0x7F, v2;
	v4 =	vsub.s32 $0x7F, v4  }
0x13e: {  	v0 =	vsub.s32 $0x7F, v0;
	v18 =	vadd.f32 $1.000000000e+00, v9;
	(erf) = vrcp.f32 v15  }
0x13f: {  	v1 =	vsub.s32 $0x7F, v1;
	v20 =	vadd.f32 $1.000000000e+00, v13;
	v22 =	vadd.f32 $1.000000000e+00, v14  }
0x140: {  	v23 =	vadd.f32 $1.000000000e+00, v17;
	v15 =	vor.u32 $0x3F800000, v19;
	v19 =	vand.u32 $0x7FFFFF, v10  }
0x141: {  	v0 =	vcvt.s32.f32 v0;
	v25 =	vmul.f32 v20, v18;
	v19 =	vor.u32 $0x3F800000, v19  }
0x142: {  	v1 =	vcvt.s32.f32 v1;
	v24 =	vadd.f32 $1.000000000e+00, v15;
	v26 =	vadd.f32 $1.000000000e+00, v19  }
0x143: {  	v16 =	vsub.f32 $2.000000000e+00, v16;
	v28 =	vmul.f32 v23, v22;
	(erf) = vrcp.f32 v25  }
0x144: {  	v8 =	vsub.s32 $0x7F, v8;
	v2 =	vcvt.s32.f32 v2;
	v29 =	vmul.f32 v26, v24  }
0x145: {  	v3 =	vsub.s32 $0x7F, v3;
	v16 =	vmul.f32 $1.442695020e+00, v16;
	(erf) = vrcp.f32 v28  }
0x146: {  	v5 =	vsub.s32 $0x7F, v5;
	v4 =	vcvt.s32.f32 v4;
	(erf) = vrcp.f32 v29  }
0x147: {  	v21 =	vsub.f32 $2.000000000e+00, v21;
	v8 =	vcvt.s32.f32 v8;
	(erf) = vpow2.f32 v16;
	v16 =	vld [tilespmem:s19+$0x30];
	v58 =	vpop (erf)  }
0x148: {  	v6 =	vadd.f32 $-1.000000000e+00, v6;
	v12 =	vmul.f32 v58, v12;
	v11 =	vmul.f32 v58, v11  }
0x149: {  	v7 =	vadd.f32 $-1.000000000e+00, v7;
	v3 =	vcvt.s32.f32 v3;
	v21 =	vmul.f32 $1.442695020e+00, v21  }
0x14a: {  	v5 =	vcvt.s32.f32 v5;
	v6 =	vmul.f32 v12, v6  }
0x14b: {  	v9 =	vadd.f32 $-1.000000000e+00, v9;
	(erf) = vpow2.f32 v21;
	v7 =	vmul.f32 v11, v7  }
0x14c: {  	v14 =	vadd.f32 $-1.000000000e+00, v14;
	v16 =	vmul.f32 $4.000000000e+00, v16;
	v59 =	vmul.f32 v6, v6;
	v11 =	vpop (erf)  }
0x14d: {  	v25 =	vsub.f32 $2.000000000e+00, v57;
	v61 =	vmul.f32 v7, v7;
	v20 =	vmul.f32 v11, v20  }
0x14e: {  	v13 =	vadd.f32 $-1.000000000e+00, v13;
	v11 =	vmul.f32 v11, v18;
	v18 =	vpop (erf);
	v60 =	vmul.f32 $5.052695270e-01, v59  }
0x14f: {  	v12 =	vmul.f32 $1.442695020e+00, v25;
	v16 =	vsub.f32 $2.000000000e+00, v16;
	v23 =	vmul.f32 v18, v23  }
0x150: {  	v62 =	vpop (erf);
	v63 =	vmul.f32 $5.052695270e-01, v61;
	v18 =	vmul.f32 v18, v22;
	v25 =	vadd.f32 $5.689185860e-01, v60  }
0x151: {  	v17 =	vadd.f32 $-1.000000000e+00, v17;
	v16 =	vmul.f32 $1.442695020e+00, v16;
	v26 =	vmul.f32 v62, v26  }
0x152: {  	v9 =	vmul.f32 v20, v9;
	v31 =	vadd.f32 $5.689185860e-01, v63;
	v20 =	vmul.f32 v25, v59  }
0x153: {  	v15 =	vadd.f32 $-1.000000000e+00, v15;
	v24 =	vmul.f32 v62, v24;
	v11 =	vmul.f32 v11, v13  }
0x154: {  	v14 =	vmul.f32 v23, v14;
	v32 =	vmul.f32 v31, v61;
	v20 =	vadd.f32 $9.620558020e-01, v20  }
0x155: {  	v19 =	vadd.f32 $-1.000000000e+00, v19;
	(erf) = vpow2.f32 v16;
	v17 =	vmul.f32 v18, v17  }
0x156: {  	v15 =	vmul.f32 v26, v15;
	v34 =	vadd.f32 $9.620558020e-01, v32;
	v20 =	vmul.f32 v20, v59  }
0x157: {  	v33 =	vmul.f32 v9, v9;
	v18 =	vmul.f32 v24, v19  }
0x158: {  	v16 =	vmul.f32 v14, v14;
	v21 =	vmul.f32 v34, v61;
	v20 =	vadd.f32 $2.885387900e+00, v20  }
0x159: {  	v37 =	vmul.f32 v17, v17;
	v35 =	vmul.f32 v15, v15  }
0x15a: {  	s30 =	simm.s32 $0x40;
	s21 =	simm.s32 $0x80;
	v40 =	vmul.f32 v18, v18;
	v13 =	vadd.f32 $2.885387900e+00, v21;
	v6 =	vmul.f32 v20, v6  }
0x15b: {  	s20 =	sand.u32 $0x40, s30;
	s21 =	sand.u32 $0xF00, s21;
	v10 =	vshrl.u32 v10, $0x17;
	v41 =	vmul.f32 $5.052695270e-01, v37;
	v36 =	vmul.f32 $5.052695270e-01, v35  }
0x15c: {  	s20 =	sor.u32 s20, s21;
	v19 =	vmul.f32 $5.052695270e-01, v16;
	v0 =	vsub.f32 v0, v6;
	v6 =	vmul.f32 v13, v7  }
0x15d: {  	v32 =	vld [tilespmem:s20+$0x20];
	v42 =	vmul.f32 $5.052695270e-01, v40;
	v27 =	vadd.f32 $5.689185860e-01, v41;
	v21 =	vadd.f32 $5.689185860e-01, v36;
	v7 =	vpop (erf)  }
0x15e: {  	v13 =	vmul.f32 $5.052695270e-01, v33;
	v20 =	vpop (erf);
	v1 =	vsub.f32 v1, v6;
	v0 =	vmul.f32 v0, v0  }
0x15f: {  	v27 =	vmul.f32 v27, v37;
	v6 =	vsub.s32 $0x7F, v10;
	v10 =	vmul.f32 v11, v11;
	v38 =	vpop (erf)  }
0x160: {  	v13 =	vadd.f32 $5.689185860e-01, v13;
	v39 =	vmul.f32 v1, v1;
	v0 =	vmul.f32 v0, v38  }
0x161: {  	v21 =	vmul.f32 v21, v35;
	v1 =	vadd.f32 $5.689185860e-01, v19;
	v19 =	vmul.f32 $5.052695270e-01, v10  }
0x162: {  	v32 =	vmul.f32 $4.000000000e+00, v32;
	v13 =	vmul.f32 v13, v33;
	v0 =	vadd.f32 v0, v39  }
0x163: {  	v21 =	vadd.f32 $9.620558020e-01, v21;
	v19 =	vadd.f32 $5.689185860e-01, v19;
	v1 =	vmul.f32 v1, v16  }
0x164: {  	(erf) = vrcp.f32 v0;
	v0 =	vadd.f32 $9.620558020e-01, v13;
	v13 =	vadd.f32 $5.689185860e-01, v42  }
0x165: {  	v21 =	vmul.f32 v21, v35;
	v19 =	vmul.f32 v19, v10;
	v1 =	vadd.f32 $9.620558020e-01, v1  }
0x166: {  	v0 =	vmul.f32 v0, v33;
	v13 =	vmul.f32 v13, v40  }
0x167: {  	v19 =	vadd.f32 $9.620558020e-01, v19;
	v1 =	vmul.f32 v1, v16;
	v16 =	vadd.f32 $9.620558020e-01, v27  }
0x168: {  	(erf) = vpow2.f32 v12;
	v0 =	vadd.f32 $2.885387900e+00, v0;
	v13 =	vadd.f32 $9.620558020e-01, v13  }
0x169: {  	v10 =	vmul.f32 v19, v10;
	v1 =	vadd.f32 $2.885387900e+00, v1;
	v16 =	vmul.f32 v16, v37  }
0x16a: {  	v12 =	vadd.f32 $2.885387900e+00, v21;
	v13 =	vmul.f32 v13, v40;
	v0 =	vmul.f32 v0, v9  }
0x16b: {  	v9 =	vadd.f32 $2.885387900e+00, v10;
	v1 =	vmul.f32 v1, v14;
	v10 =	vadd.f32 $2.885387900e+00, v16;
	v14 =	vld [tilespmem:s20+$0x2010]  }
0x16c: {  	v6 =	vcvt.s32.f32 v6;
	v12 =	vmul.f32 v12, v15;
	v0 =	vsub.f32 v2, v0  }
0x16d: {  	v13 =	vadd.f32 $2.885387900e+00, v13;
	v10 =	vmul.f32 v10, v17;
	v1 =	vsub.f32 v4, v1  }
0x16e: {  	v8 =	vsub.f32 v8, v12;
	v9 =	vmul.f32 v9, v11;
	v0 =	vmul.f32 v0, v0  }
0x16f: {  	v2 =	vld [tilespmem:s20+$0x1030];
	v4 =	vmul.f32 v13, v18;
	v11 =	vmul.f32 v1, v1;
	v5 =	vsub.f32 v5, v10  }
0x170: {  	v8 =	vmul.f32 v8, v8;
	v1 =	vld [tilespmem:s20+$0x2030];
	v3 =	vsub.f32 v3, v9;
	v44 =	vand.u32 $0x7FFFFF, v14  }
0x171: {  	v12 =	vpop (erf);
	v4 =	vsub.f32 v6, v4;
	v6 =	vmul.f32 v11, v20;
	v5 =	vmul.f32 v5, v5  }
0x172: {  	v7 =	vmul.f32 v0, v7;
	v3 =	vmul.f32 v3, v3;
	v22 =	vor.u32 $0x3F800000, v44;
	v0 =	vpop (erf)  }
0x173: {  	v13 =	vld [tilespmem:s20+$0x2000];
	v49 =	vadd.f32 $1.000000000e+00, v22;
	v6 =	vadd.f32 v6, v5;
	v9 =	vmul.f32 v8, v0  }
0x174: {  	v20 =	vld [tilespmem:s20+$0x0];
	v0 =	vmul.f32 v4, v4;
	v4 =	vadd.f32 v7, v3;
	v8 =	vand.u32 $0x7FFFFF, v2  }
0x175: {  	v11 =	vld [tilespmem:s20+$0x1000];
	v10 =	vand.u32 $0x7FFFFF, v1;
	v2 =	vshrl.u32 v2, $0x17;
	v1 =	vshrl.u32 v1, $0x17  }
0x176: {  	v15 =	vor.u32 $0x3F800000, v8;
	v16 =	vor.u32 $0x3F800000, v10;
	v8 =	vmul.f32 v12, v39  }
0x177: {  	v7 =	vld [tilespmem:s20+$0x1010];
	v2 =	vsub.s32 $0x7F, v2;
	v1 =	vsub.s32 $0x7F, v1;
	v18 =	vadd.f32 $1.000000000e+00, v15  }
0x178: {  	v17 =	vld [tilespmem:s20+$0x1020];
	(erf) = vrcp.f32 v4;
	v19 =	vadd.f32 $1.000000000e+00, v16;
	v4 =	vadd.f32 v9, v0  }
0x179: {  	v12 =	vld [tilespmem:s20+$0x2020];
	v9 =	vand.u32 $0x7FFFFF, v13;
	v20 =	vmul.f32 $4.000000000e+00, v20;
	v15 =	vadd.f32 $-1.000000000e+00, v15  }
0x17a: {  	(erf) = vrcp.f32 v6;
	v6 =	vand.u32 $0x7FFFFF, v11;
	v10 =	vmul.f32 v19, v18  }
0x17b: {  	v16 =	vadd.f32 $-1.000000000e+00, v16;
	v9 =	vor.u32 $0x3F800000, v9;
	v6 =	vor.u32 $0x3F800000, v6  }
0x17c: {  	v47 =	vadd.f32 $1.000000000e+00, v9;
	v43 =	vand.u32 $0x7FFFFF, v7;
	(erf) = vrcp.f32 v10  }
0x17d: {  	v45 =	vadd.f32 $1.000000000e+00, v6;
	v30 =	vadd.f32 $-1.000000000e+00, v6;
	v10 =	vand.u32 $0x7FFFFF, v17  }
0x17e: {  	v21 =	vor.u32 $0x3F800000, v43;
	v46 =	vand.u32 $0x7FFFFF, v12;
	v10 =	vor.u32 $0x3F800000, v10  }
0x17f: {  	v48 =	vadd.f32 $1.000000000e+00, v21;
	v24 =	vor.u32 $0x3F800000, v46;
	v6 =	vmul.f32 v47, v45  }
0x180: {  	v50 =	vld [tilespmem:s20+$0x10];
	v2 =	vcvt.s32.f32 v2;
	v51 =	vadd.f32 $1.000000000e+00, v10;
	v31 =	vadd.f32 $1.000000000e+00, v24  }
0x181: {  	v33 =	vmul.f32 v49, v48;
	(erf) = vrcp.f32 v6;
	v6 =	vsub.f32 $2.000000000e+00, v20  }
0x182: {  	v13 =	vshrl.u32 v13, $0x17;
	v1 =	vcvt.s32.f32 v1;
	v36 =	vmul.f32 v31, v51  }
0x183: {  	v34 =	vadd.f32 $-1.000000000e+00, v10;
	v10 =	vpop (erf);
	(erf) = vrcp.f32 v33;
	v6 =	vmul.f32 $1.442695020e+00, v6  }
0x184: {  	v11 =	vshrl.u32 v11, $0x17;
	v35 =	vadd.f32 $-1.000000000e+00, v9;
	v9 =	vpop (erf);
	(erf) = vrcp.f32 v36  }
0x185: {  	v20 =	vmul.f32 $4.000000000e+00, v50;
	(erf) = vpow2.f32 v6;
	v6 =	vshrl.u32 v17, $0x17;
	v17 =	vld [tilespmem:s20+$0x30];
	v52 =	vpop (erf)  }
0x186: {  	v13 =	vsub.s32 $0x7F, v13;
	v11 =	vsub.s32 $0x7F, v11;
	v19 =	vmul.f32 v52, v19  }
0x187: {  	v13 =	vcvt.s32.f32 v13;
	v20 =	vsub.f32 $2.000000000e+00, v20;
	v18 =	vmul.f32 v52, v18  }
0x188: {  	v7 =	vshrl.u32 v7, $0x17;
	v11 =	vcvt.s32.f32 v11;
	v15 =	vmul.f32 v19, v15  }
0x189: {  	v7 =	vsub.s32 $0x7F, v7;
	v20 =	vmul.f32 $1.442695020e+00, v20;
	v16 =	vmul.f32 v18, v16  }
0x18a: {  	v19 =	vsub.f32 $2.000000000e+00, v32;
	v17 =	vmul.f32 $4.000000000e+00, v17;
	v53 =	vmul.f32 v15, v15  }
0x18b: {  	v7 =	vcvt.s32.f32 v7;
	v6 =	vsub.s32 $0x7F, v6;
	(erf) = vpow2.f32 v20  }
0x18c: {  	v54 =	vmul.f32 v16, v16;
	v17 =	vsub.f32 $2.000000000e+00, v17;
	v20 =	vmul.f32 $5.052695270e-01, v53  }
0x18d: {  	v6 =	vcvt.s32.f32 v6;
	v18 =	vmul.f32 $1.442695020e+00, v19  }
0x18e: {  	v19 =	vpop (erf);
	v57 =	vmul.f32 $5.052695270e-01, v54;
	v17 =	vmul.f32 $1.442695020e+00, v17;
	v20 =	vadd.f32 $5.689185860e-01, v20  }
0x18f: {  	v25 =	vmul.f32 v19, v47;
	v19 =	vmul.f32 v19, v45;
	v55 =	vpop (erf)  }
0x190: {  	v27 =	vmul.f32 v55, v49;
	v58 =	vadd.f32 $5.689185860e-01, v57;
	v20 =	vmul.f32 v20, v53  }
0x191: {  	v21 =	vadd.f32 $-1.000000000e+00, v21;
	v56 =	vpop (erf);
	v23 =	vmul.f32 v55, v48;
	(erf) = vpow2.f32 v17  }
0x192: {  	v31 =	vmul.f32 v56, v31;
	v60 =	vmul.f32 v58, v54;
	v20 =	vadd.f32 $9.620558020e-01, v20  }
0x193: {  	v14 =	vshrl.u32 v14, $0x17;
	v25 =	vmul.f32 v25, v30;
	v29 =	vmul.f32 v56, v51  }
0x194: {  	v21 =	vmul.f32 v27, v21;
	v27 =	vadd.f32 $9.620558020e-01, v60;
	v20 =	vmul.f32 v20, v53  }
0x195: {  	v24 =	vadd.f32 $-1.000000000e+00, v24;
	v19 =	vmul.f32 v19, v35;
	v59 =	vmul.f32 v31, v34  }
0x196: {  	v61 =	vmul.f32 v25, v25;
	v27 =	vmul.f32 v27, v54;
	v20 =	vadd.f32 $2.885387900e+00, v20  }
0x197: {  	v14 =	vsub.s32 $0x7F, v14;
	v63 =	vmul.f32 v29, v24;
	v17 =	vmul.f32 v21, v21  }
0x198: {  	v62 =	vmul.f32 v59, v59;
	v27 =	vadd.f32 $2.885387900e+00, v27;
	v15 =	vmul.f32 v20, v15  }
0x199: {  	v22 =	vadd.f32 $-1.000000000e+00, v22;
	v43 =	vmul.f32 v63, v63;
	v37 =	vmul.f32 $5.052695270e-01, v17  }
0x19a: {  	v38 =	vmul.f32 $5.052695270e-01, v62;
	v16 =	vmul.f32 v27, v16;
	v2 =	vsub.f32 v2, v15  }
0x19b: {  	v36 =	vpop (erf);
	v45 =	vmul.f32 $5.052695270e-01, v43;
	v24 =	vadd.f32 $5.689185860e-01, v37;
	v20 =	vmul.f32 v23, v22  }
0x19c: {  	v39 =	vpop (erf);
	v15 =	vmul.f32 $5.052695270e-01, v61;
	v1 =	vsub.f32 v1, v16;
	v2 =	vmul.f32 v2, v2  }
0x19d: {  	v41 =	vpop (erf);
	v46 =	vadd.f32 $5.689185860e-01, v45;
	v16 =	vmul.f32 v19, v19;
	v40 =	vmul.f32 v20, v20  }
0x19e: {  	v15 =	vadd.f32 $5.689185860e-01, v15;
	v1 =	vmul.f32 v1, v1;
	v2 =	vmul.f32 v2, v41  }
0x19f: {  	v27 =	vadd.f32 $5.689185860e-01, v38;
	v42 =	vmul.f32 $5.052695270e-01, v16;
	v44 =	vmul.f32 $5.052695270e-01, v40  }
0x1a0: {  	v24 =	vmul.f32 v24, v17;
	v15 =	vmul.f32 v15, v61;
	v2 =	vadd.f32 v2, v1  }
0x1a1: {  	v47 =	vmul.f32 v46, v43;
	v32 =	vadd.f32 $5.689185860e-01, v42;
	v34 =	vadd.f32 $5.689185860e-01, v44  }
0x1a2: {  	s22 =	simm.s32 $0x80;
	s23 =	simm.s32 $0x100;
	v27 =	vmul.f32 v27, v62;
	(erf) = vrcp.f32 v2;
	v2 =	vadd.f32 $9.620558020e-01, v15  }
0x1a3: {  	s31 =	sand.u32 $0x40, s22;
	s24 =	sand.u32 $0xF00, s23;
	v24 =	vadd.f32 $9.620558020e-01, v24;
	v34 =	vmul.f32 v34, v40;
	v15 =	vmul.f32 v32, v16  }
0x1a4: {  	s21 =	sor.u32 s31, s24;
	v49 =	vadd.f32 $9.620558020e-01, v47;
	v27 =	vadd.f32 $9.620558020e-01, v27;
	v2 =	vmul.f32 v2, v61  }
0x1a5: {  	v17 =	vmul.f32 v24, v17;
	v48 =	vadd.f32 $9.620558020e-01, v34;
	v15 =	vadd.f32 $9.620558020e-01, v15;
	v61 =	vld [tilespmem:s21+$0x10]  }
0x1a6: {  	v27 =	vmul.f32 v27, v62;
	(erf) = vpow2.f32 v18;
	v2 =	vadd.f32 $2.885387900e+00, v2  }
0x1a7: {  	v15 =	vmul.f32 v15, v16;
	v16 =	vadd.f32 $2.885387900e+00, v17;
	v17 =	vmul.f32 v48, v40  }
0x1a8: {  	v51 =	vmul.f32 v49, v43;
	v18 =	vadd.f32 $2.885387900e+00, v27;
	(erf) = vrcp.f32 v4  }
0x1a9: {  	v2 =	vmul.f32 v2, v25;
	v15 =	vadd.f32 $2.885387900e+00, v15;
	v50 =	vadd.f32 $2.885387900e+00, v17  }
0x1aa: {  	v12 =	vshrl.u32 v12, $0x17;
	v16 =	vmul.f32 v16, v21;
	v33 =	vmul.f32 $4.000000000e+00, v61  }
0x1ab: {  	v2 =	vsub.f32 v11, v2;
	v11 =	vmul.f32 v15, v19;
	v15 =	vmul.f32 v50, v20  }
0x1ac: {  	v17 =	vld [tilespmem:s21+$0x1030];
	v7 =	vsub.f32 v7, v16;
	v19 =	vsub.s32 $0x7F, v12;
	v12 =	vcvt.s32.f32 v14  }
0x1ad: {  	v16 =	vld [tilespmem:s21+$0x2030];
	v14 =	vmul.f32 v18, v59;
	v18 =	vpop (erf);
	v49 =	vsub.f32 $2.000000000e+00, v33;
	v2 =	vmul.f32 v2, v2  }
0x1ae: {  	v13 =	vsub.f32 v13, v11;
	v7 =	vmul.f32 v7, v7;
	v11 =	vmul.f32 v18, v1  }
0x1af: {  	v6 =	vsub.f32 v6, v14;
	v26 =	vmul.f32 $1.442695020e+00, v49;
	v18 =	vmul.f32 v2, v36  }
0x1b0: {  	v14 =	vld [tilespmem:s21+$0x2020];
	v2 =	vsub.f32 v12, v15;
	v15 =	vadd.f32 $2.885387900e+00, v51;
	v7 =	vmul.f32 v7, v39  }
0x1b1: {  	v1 =	vmul.f32 v13, v13;
	v13 =	vand.u32 $0x7FFFFF, v17;
	v56 =	vmul.f32 v6, v6  }
0x1b2: {  	v6 =	vld [tilespmem:s21+$0x0];
	v52 =	vand.u32 $0x7FFFFF, v16;
	v53 =	vor.u32 $0x3F800000, v13;
	v16 =	vshrl.u32 v16, $0x17  }
0x1b3: {  	v20 =	vld [tilespmem:s21+$0x1000];
	v2 =	vmul.f32 v2, v2;
	v18 =	vadd.f32 v18, v1;
	v21 =	vor.u32 $0x3F800000, v52  }
0x1b4: {  	v12 =	vld [tilespmem:s21+$0x2000];
	v54 =	vadd.f32 $1.000000000e+00, v53;
	v15 =	vmul.f32 v15, v63;
	v16 =	vsub.s32 $0x7F, v16  }
0x1b5: {  	v24 =	vld [tilespmem:s21+$0x1010];
	v55 =	vadd.f32 $1.000000000e+00, v21;
	v37 =	vand.u32 $0x7FFFFF, v14;
	v16 =	vcvt.s32.f32 v16  }
0x1b6: {  	v13 =	vld [tilespmem:s21+$0x2010];
	v4 =	vadd.f32 v7, v2;
	(erf) = vrcp.f32 v18;
	v18 =	vcvt.s32.f32 v19  }
0x1b7: {  	v19 =	vld [tilespmem:s21+$0x1020];
	v37 =	vor.u32 $0x3F800000, v37;
	v7 =	vmul.f32 v55, v54;
	v39 =	vmul.f32 $4.000000000e+00, v6  }
0x1b8: {  	v46 =	vadd.f32 $1.000000000e+00, v37;
	(erf) = vrcp.f32 v4;
	v4 =	vand.u32 $0x7FFFFF, v20  }
0x1b9: {  	v20 =	vshrl.u32 v20, $0x17;
	(erf) = vrcp.f32 v7;
	v7 =	vand.u32 $0x7FFFFF, v12  }
0x1ba: {  	v57 =	vor.u32 $0x3F800000, v4;
	v4 =	vand.u32 $0x7FFFFF, v24;
	v28 =	vor.u32 $0x3F800000, v7  }
0x1bb: {  	v58 =	vor.u32 $0x3F800000, v4;
	v4 =	vand.u32 $0x7FFFFF, v13;
	v59 =	vadd.f32 $1.000000000e+00, v57  }
0x1bc: {  	v31 =	vor.u32 $0x3F800000, v4;
	v60 =	vadd.f32 $1.000000000e+00, v28;
	v4 =	vand.u32 $0x7FFFFF, v19  }
0x1bd: {  	v18 =	vsub.f32 v18, v15;
	v20 =	vsub.s32 $0x7F, v20;
	v62 =	vadd.f32 $1.000000000e+00, v58  }
0x1be: {  	v63 =	vadd.f32 $1.000000000e+00, v31;
	v7 =	vpop (erf);
	v45 =	vor.u32 $0x3F800000, v4;
	v38 =	vmul.f32 v60, v59  }
0x1bf: {  	v15 =	vmul.f32 v10, v3;
	v20 =	vcvt.s32.f32 v20;
	v41 =	vadd.f32 $1.000000000e+00, v45;
	v4 =	vpop (erf)  }
0x1c0: {  	v39 =	vsub.f32 $2.000000000e+00, v39;
	v40 =	vmul.f32 v63, v62;
	v6 =	vpop (erf);
	(erf) = vrcp.f32 v38  }
0x1c1: {  	v3 =	vadd.f32 $-1.000000000e+00, v53;
	v22 =	vmul.f32 v56, v7;
	v47 =	vmul.f32 v46, v41;
	v7 =	vpop (erf)  }
0x1c2: {  	v48 =	vmul.f32 $1.442695020e+00, v39;
	v19 =	vshrl.u32 v19, $0x17;
	(erf) = vrcp.f32 v40;
	v42 =	vpop (erf)  }
0x1c3: {  	v19 =	vsub.s32 $0x7F, v19;
	v56 =	vld [tilespmem:s21+$0x20];
	(erf) = vrcp.f32 v47;
	v10 =	vmul.f32 v42, v55  }
0x1c4: {  	v19 =	vcvt.s32.f32 v19;
	(erf) = vpow2.f32 v48  }
0x1c5: {  	v21 =	vadd.f32 $-1.000000000e+00, v21;
	v50 =	vmul.f32 v42, v54;
	v10 =	vmul.f32 v10, v3  }
0x1c6: {  	v14 =	vshrl.u32 v14, $0x17;
	v3 =	vmul.f32 v18, v18;
	v18 =	vmul.f32 v9, v5;
	v9 =	vld [tilespmem:s21+$0x30]  }
0x1c7: {  	v61 =	vadd.f32 $-1.000000000e+00, v37;
	v21 =	vmul.f32 v50, v21;
	v51 =	vmul.f32 v10, v10  }
0x1c8: {  	v53 =	vadd.f32 $-1.000000000e+00, v57;
	v33 =	vmul.f32 $4.000000000e+00, v56;
	(erf) = vpow2.f32 v26  }
0x1c9: {  	v29 =	vadd.f32 $-1.000000000e+00, v58;
	v57 =	vmul.f32 v21, v21;
	v5 =	vpop (erf);
	v52 =	vmul.f32 $5.052695270e-01, v51  }
0x1ca: {  	v28 =	vadd.f32 $-1.000000000e+00, v28;
	v54 =	vmul.f32 v5, v60;
	v30 =	vmul.f32 v5, v59  }
0x1cb: {  	v59 =	vmul.f32 $5.052695270e-01, v57;
	v55 =	vpop (erf);
	v9 =	vmul.f32 $4.000000000e+00, v9;
	v23 =	vadd.f32 $5.689185860e-01, v52  }
0x1cc: {  	v5 =	vadd.f32 v22, v3;
	v35 =	vmul.f32 v55, v63;
	v22 =	vmul.f32 v54, v53  }
0x1cd: {  	v60 =	vadd.f32 $5.689185860e-01, v59;
	v9 =	vsub.f32 $2.000000000e+00, v9;
	v23 =	vmul.f32 v23, v51  }
0x1ce: {  	v31 =	vadd.f32 $-1.000000000e+00, v31;
	v32 =	vmul.f32 v55, v62;
	v49 =	vmul.f32 v30, v28  }
0x1cf: {  	v63 =	vpop (erf);
	v34 =	vmul.f32 v60, v57;
	v9 =	vmul.f32 $1.442695020e+00, v9;
	v23 =	vadd.f32 $9.620558020e-01, v23  }
0x1d0: {  	v62 =	vsub.f32 $2.000000000e+00, v33;
	v40 =	vmul.f32 v63, v46;
	v44 =	vmul.f32 v63, v41  }
0x1d1: {  	v34 =	vadd.f32 $9.620558020e-01, v34;
	(erf) = vpow2.f32 v9;
	v23 =	vmul.f32 v23, v51  }
0x1d2: {  	v29 =	vmul.f32 v35, v29;
	v25 =	vmul.f32 $1.442695020e+00, v62;
	v9 =	vshrl.u32 v17, $0x17  }
0x1d3: {  	v43 =	vmul.f32 v34, v57;
	v9 =	vsub.s32 $0x7F, v9;
	v17 =	vadd.f32 $2.885387900e+00, v23  }
0x1d4: {  	v58 =	vadd.f32 $-1.000000000e+00, v45;
	v42 =	vmul.f32 v22, v22;
	v9 =	vcvt.s32.f32 v9  }
0x1d5: {  	v31 =	vmul.f32 v32, v31;
	v10 =	vmul.f32 v17, v10;
	v17 =	vadd.f32 $2.885387900e+00, v43  }
0x1d6: {  	v24 =	vshrl.u32 v24, $0x17;
	v53 =	vmul.f32 v49, v49;
	v27 =	vmul.f32 v40, v58  }
0x1d7: {  	v26 =	vmul.f32 v44, v61;
	v47 =	vsub.f32 v9, v10;
	v17 =	vmul.f32 v17, v21  }
0x1d8: {  	v12 =	vshrl.u32 v12, $0x17;
	v45 =	vmul.f32 v29, v29;
	v50 =	vmul.f32 $5.052695270e-01, v42;
	v9 =	vpop (erf)  }
0x1d9: {  	v55 =	vmul.f32 v31, v31;
	v10 =	vpop (erf);
	v16 =	vsub.f32 v16, v17;
	v17 =	vmul.f32 v47, v47  }
0x1da: {  	v59 =	vsub.s32 $0x7F, v12;
	v46 =	vmul.f32 v27, v27;
	v51 =	vmul.f32 $5.052695270e-01, v45;
	v52 =	vpop (erf)  }
0x1db: {  	v12 =	vsub.s32 $0x7F, v14;
	v16 =	vmul.f32 v16, v16;
	v17 =	vmul.f32 v17, v52  }
0x1dc: {  	v56 =	vmul.f32 $5.052695270e-01, v53;
	v28 =	vadd.f32 $5.689185860e-01, v50;
	v30 =	vadd.f32 $5.689185860e-01, v51  }
0x1dd: {  	v57 =	vmul.f32 $5.052695270e-01, v55;
	v54 =	vmul.f32 $5.052695270e-01, v46;
	v17 =	vadd.f32 v17, v16  }
0x1de: {  	v37 =	vadd.f32 $5.689185860e-01, v56;
	v28 =	vmul.f32 v28, v42;
	v30 =	vmul.f32 v30, v45  }
0x1df: {  	v34 =	vadd.f32 $5.689185860e-01, v54;
	(erf) = vrcp.f32 v17;
	v17 =	vmul.f32 v26, v26  }
0x1e0: {  	v36 =	vadd.f32 $5.689185860e-01, v57;
	v37 =	vmul.f32 v37, v53;
	v28 =	vadd.f32 $9.620558020e-01, v28  }
0x1e1: {  	v34 =	vmul.f32 v34, v46;
	v30 =	vadd.f32 $9.620558020e-01, v30;
	v58 =	vmul.f32 $5.052695270e-01, v17  }
0x1e2: {  	v36 =	vmul.f32 v36, v55;
	v14 =	vadd.f32 $9.620558020e-01, v37;
	v28 =	vmul.f32 v28, v42  }
0x1e3: {  	v34 =	vadd.f32 $9.620558020e-01, v34;
	v23 =	vmul.f32 v30, v45;
	v30 =	vadd.f32 $5.689185860e-01, v58  }
0x1e4: {  	v13 =	vshrl.u32 v13, $0x17;
	v14 =	vmul.f32 v14, v53;
	(erf) = vpow2.f32 v25  }
0x1e5: {  	v60 =	vadd.f32 $9.620558020e-01, v36;
	v33 =	vmul.f32 v34, v46;
	v30 =	vmul.f32 v30, v17  }
0x1e6: {  	v48 =	vsub.s32 $0x7F, v24;
	v28 =	vadd.f32 $2.885387900e+00, v28;
	v14 =	vadd.f32 $2.885387900e+00, v14  }
0x1e7: {  	v21 =	vcvt.s32.f32 v48;
	v61 =	vadd.f32 $2.885387900e+00, v33;
	v30 =	vadd.f32 $9.620558020e-01, v30  }
0x1e8: {  	v23 =	vadd.f32 $2.885387900e+00, v23;
	v22 =	vmul.f32 v28, v22;
	v25 =	vmul.f32 v60, v55  }
0x1e9: {  	[tilespmem:s19+$0x3030] =	vst v8;
	v13 =	vsub.s32 $0x7F, v13;
	v62 =	vmul.f32 v61, v27;
	v17 =	vmul.f32 v30, v17  }
0x1ea: {  	[tilespmem:s20+$0x3030] =	vst v11;
	v14 =	vmul.f32 v14, v49;
	v23 =	vmul.f32 v23, v29;
	v8 =	vadd.f32 $2.885387900e+00, v25;
	v63 =	vpop (erf)  }
0x1eb: {  	[tilespmem:s19+$0x3010] =	vst v18;
	v18 =	vsub.f32 v19, v62;
	v16 =	vmul.f32 v63, v16;
	v11 =	vadd.f32 $2.885387900e+00, v17  }
0x1ec: {  	[tilespmem:s19+$0x3000] =	vst v15;
	v19 =	vcvt.s32.f32 v59;
	v8 =	vmul.f32 v8, v31;
	v17 =	vsub.f32 v20, v22  }
0x1ed: {  	v15 =	vsub.f32 v21, v23;
	[tilespmem:s21+$0x3030] =	vst v16;
	v16 =	vcvt.s32.f32 v13;
	v13 =	vpop (erf);
	v11 =	vmul.f32 v11, v26  }
.LBB2_2:
0x1ee: {  	s22 =	sadd.s32 $0x40, s22;
	v17 =	vmul.f32 v17, v17;
	v12 =	vcvt.s32.f32 v12;
	s23 =	sadd.s32 $0x80, s23  }
0x1ef: {  	v15 =	vmul.f32 v15, v15;
	v18 =	vmul.f32 v18, v18;
	s24 =	sand.u32 $0x40, s22;
	s25 =	sand.u32 $0xF00, s23;
	p0 =	slt.u32 s22, $0x7C0;
	v14 =	vsub.f32 v19, v14  }
0x1f0: {  	v16 =	vsub.f32 v16, v8;
	s24 =	sor.u32 s24, s25;
	v9 =	vmul.f32 v17, v9;
	v12 =	vsub.f32 v12, v11  }
0x1f1: {  	v10 =	vmul.f32 v15, v10;
	v13 =	vmul.f32 v18, v13;
	v11 =	vld [tilespmem:s24+$0x1030]  }
0x1f2: {  	v14 =	vmul.f32 v14, v14;
	v15 =	vmul.f32 v16, v16;
	v8 =	vld [tilespmem:s24+$0x2030]  }
0x1f3: {  	v12 =	vmul.f32 v12, v12;
	v16 =	vld [tilespmem:s24+$0x1000];
	(erf) = vrcp.f32 v5  }
0x1f4: {  	v6 =	vmul.f32 v6, v1;
	v9 =	vadd.f32 v9, v14;
	v10 =	vadd.f32 v10, v15;
	v1 =	vmovc v14;
	v17 =	vld [tilespmem:s24+$0x2000]  }
0x1f5: {  	v7 =	vmul.f32 v7, v2;
	v4 =	vmul.f32 v4, v0;
	v2 =	vmovc v15;
	v5 =	vadd.f32 v13, v12;
	v14 =	vld [tilespmem:s24+$0x1010]  }
0x1f6: {  	v0 =	vmov v3;
	v3 =	vmov v12;
	v18 =	vld [tilespmem:s24+$0x2010];
	(erf) = vrcp.f32 v9;
	[tilespmem:s20+$0x3000] =	vst v6  }
0x1f7: {  	v6 =	vand.u32 $0x7FFFFF, v11;
	v9 =	vld [tilespmem:s24+$0x1020];
	v12 =	vand.u32 $0x7FFFFF, v8;
	(erf) = vrcp.f32 v10;
	[tilespmem:s20+$0x3010] =	vst v7  }
0x1f8: {  	v13 =	vor.u32 $0x3F800000, v6;
	v7 =	vand.u32 $0x7FFFFF, v16;
	v10 =	vld [tilespmem:s24+$0x2020];
	v12 =	vor.u32 $0x3F800000, v12;
	[tilespmem:s19+$0x3020] =	vst v4;
	s19 =	smov.u32 s20;
	s20 =	smov.u32 s21;
	s21 =	smov.u32 s24  }
0x1f9: {  	v15 =	vadd.f32 $1.000000000e+00, v13;
	v6 =	vld [tilespmem:s21+$0x0];
	v4 =	vand.u32 $0x7FFFFF, v17;
	v19 =	vadd.f32 $1.000000000e+00, v12  }
0x1fa: {  	v7 =	vor.u32 $0x3F800000, v7;
	v20 =	vor.u32 $0x3F800000, v4;
	v21 =	vld [tilespmem:s21+$0x10];
	v29 =	vand.u32 $0x7FFFFF, v14  }
0x1fb: {  	v22 =	vor.u32 $0x3F800000, v29;
	v28 =	vand.u32 $0x7FFFFF, v18;
	v23 =	vld [tilespmem:s21+$0x20];
	v24 =	vmul.f32 v19, v15  }
0x1fc: {  	v25 =	vadd.f32 $1.000000000e+00, v7;
	v26 =	vor.u32 $0x3F800000, v28;
	v27 =	vand.u32 $0x7FFFFF, v9;
	v4 =	vpop (erf)  }
0x1fd: {  	v27 =	vor.u32 $0x3F800000, v27;
	v28 =	vand.u32 $0x7FFFFF, v10;
	(erf) = vrcp.f32 v24  }
0x1fe: {  	v29 =	vadd.f32 $1.000000000e+00, v22;
	v24 =	vadd.f32 $1.000000000e+00, v20;
	v28 =	vor.u32 $0x3F800000, v28  }
0x1ff: {  	v31 =	vadd.f32 $1.000000000e+00, v26;
	v30 =	vmul.f32 $4.000000000e+00, v6;
	v32 =	vadd.f32 $1.000000000e+00, v27;
	v6 =	vpop (erf)  }
0x200: {  	v34 =	vadd.f32 $-1.000000000e+00, v7;
	v33 =	vmul.f32 v24, v25;
	v35 =	vadd.f32 $1.000000000e+00, v28;
	v7 =	vpop (erf)  }
0x201: {  	v22 =	vadd.f32 $-1.000000000e+00, v22;
	v27 =	vadd.f32 $-1.000000000e+00, v27;
	v36 =	vmul.f32 v31, v29  }
0x202: {  	v20 =	vadd.f32 $-1.000000000e+00, v20;
	v37 =	vmul.f32 v35, v32;
	(erf) = vrcp.f32 v33  }
0x203: {  	v26 =	vadd.f32 $-1.000000000e+00, v26;
	v28 =	vadd.f32 $-1.000000000e+00, v28;
	(erf) = vrcp.f32 v36  }
0x204: {  	v21 =	vmul.f32 $4.000000000e+00, v21;
	v30 =	vsub.f32 $2.000000000e+00, v30;
	(erf) = vrcp.f32 v37  }
0x205: {  	v16 =	vshrl.u32 v16, $0x17;
	v14 =	vshrl.u32 v14, $0x17;
	v23 =	vmul.f32 $4.000000000e+00, v23  }
0x206: {  	v9 =	vshrl.u32 v9, $0x17;
	v21 =	vsub.f32 $2.000000000e+00, v21;
	v30 =	vmul.f32 $1.442695020e+00, v30;
	v33 =	vpop (erf)  }
0x207: {  	v23 =	vsub.f32 $2.000000000e+00, v23;
	v36 =	vadd.f32 $-1.000000000e+00, v13;
	v19 =	vmul.f32 v33, v19  }
0x208: {  	v13 =	vsub.s32 $0x7F, v16;
	v16 =	vmul.f32 $1.442695020e+00, v21;
	(erf) = vpow2.f32 v30  }
0x209: {  	v12 =	vadd.f32 $-1.000000000e+00, v12;
	v21 =	vmul.f32 v33, v15;
	v19 =	vmul.f32 v19, v36  }
0x20a: {  	v14 =	vsub.s32 $0x7F, v14;
	v23 =	vmul.f32 $1.442695020e+00, v23;
	v30 =	vld [tilespmem:s21+$0x30];
	(erf) = vpow2.f32 v16  }
0x20b: {  	v15 =	vsub.s32 $0x7F, v9;
	v21 =	vmul.f32 v21, v12;
	v33 =	vmul.f32 v19, v19;
	v9 =	vpop (erf)  }
0x20c: {  	v16 =	vshrl.u32 v17, $0x17;
	v12 =	vmul.f32 v9, v24;
	v17 =	vmul.f32 v9, v25;
	v24 =	vpop (erf)  }
0x20d: {  	v18 =	vshrl.u32 v18, $0x17;
	v25 =	vmul.f32 v21, v21;
	v9 =	vmul.f32 $5.052695270e-01, v33;
	v36 =	vpop (erf)  }
0x20e: {  	v37 =	vshrl.u32 v10, $0x17;
	v31 =	vmul.f32 v24, v31;
	v35 =	vmul.f32 v36, v35  }
0x20f: {  	v10 =	vmul.f32 $5.052695270e-01, v25;
	v38 =	vadd.f32 $5.689185860e-01, v9;
	v30 =	vmul.f32 $4.000000000e+00, v30  }
0x210: {  	v16 =	vsub.s32 $0x7F, v16;
	v34 =	vmul.f32 v12, v34;
	v22 =	vmul.f32 v31, v22  }
0x211: {  	v12 =	vmul.f32 v38, v33;
	v38 =	vadd.f32 $5.689185860e-01, v10;
	v30 =	vsub.f32 $2.000000000e+00, v30;
	v9 =	vpop (erf)  }
0x212: {  	v31 =	vsub.s32 $0x7F, v18;
	v18 =	vmul.f32 v24, v29;
	v24 =	vmul.f32 v35, v27  }
0x213: {  	v27 =	vadd.f32 $9.620558020e-01, v12;
	v29 =	vmul.f32 v38, v25;
	v30 =	vmul.f32 $1.442695020e+00, v30;
	v10 =	vpop (erf)  }
0x214: {  	v32 =	vmul.f32 v36, v32;
	v35 =	vmul.f32 v34, v34;
	v12 =	vsub.s32 $0x7F, v37  }
0x215: {  	v27 =	vmul.f32 v27, v33;
	v29 =	vadd.f32 $9.620558020e-01, v29;
	(erf) = vpow2.f32 v30  }
0x216: {  	v30 =	vmul.f32 v22, v22;
	v33 =	vmul.f32 v24, v24  }
0x217: {  	v11 =	vshrl.u32 v11, $0x17;
	v27 =	vadd.f32 $2.885387900e+00, v27;
	v25 =	vmul.f32 v29, v25  }
0x218: {  	v11 =	vsub.s32 $0x7F, v11;
	v8 =	vshrl.u32 v8, $0x17;
	v20 =	vmul.f32 v17, v20  }
0x219: {  	v11 =	vcvt.s32.f32 v11;
	v17 =	vmul.f32 v27, v19;
	v19 =	vadd.f32 $2.885387900e+00, v25  }
0x21a: {  	v8 =	vsub.s32 $0x7F, v8;
	v18 =	vmul.f32 v18, v26;
	v25 =	vmul.f32 v32, v28  }
0x21b: {  	v8 =	vcvt.s32.f32 v8;
	v11 =	vsub.f32 v11, v17;
	v17 =	vmul.f32 v19, v21  }
0x21c: {  	v19 =	vmul.f32 $5.052695270e-01, v35;
	v21 =	vmul.f32 $5.052695270e-01, v30  }
0x21d: {  	v26 =	vmul.f32 $5.052695270e-01, v33;
	v8 =	vsub.f32 v8, v17;
	v11 =	vmul.f32 v11, v11  }
0x21e: {  	v27 =	vmul.f32 v18, v18;
	v17 =	vadd.f32 $5.689185860e-01, v19;
	v19 =	vmul.f32 v20, v20;
	v28 =	vpop (erf)  }
0x21f: {  	v21 =	vadd.f32 $5.689185860e-01, v21;
	v8 =	vmul.f32 v8, v8;
	v11 =	vmul.f32 v11, v28  }
0x220: {  	v26 =	vadd.f32 $5.689185860e-01, v26;
	v29 =	vmul.f32 v25, v25;
	v28 =	vmul.f32 $5.052695270e-01, v19  }
0x221: {  	v32 =	vmul.f32 $5.052695270e-01, v27;
	v17 =	vmul.f32 v17, v35;
	v11 =	vadd.f32 v11, v8  }
0x222: {  	v36 =	vmul.f32 $5.052695270e-01, v29;
	v21 =	vmul.f32 v21, v30;
	v28 =	vadd.f32 $5.689185860e-01, v28  }
0x223: {  	v26 =	vmul.f32 v26, v33;
	v32 =	vadd.f32 $5.689185860e-01, v32;
	(erf) = vrcp.f32 v11  }
0x224: {  	v11 =	vadd.f32 $9.620558020e-01, v17;
	v17 =	vmul.f32 v28, v19;
	v28 =	vadd.f32 $5.689185860e-01, v36  }
0x225: {  	v26 =	vadd.f32 $9.620558020e-01, v26;
	v32 =	vmul.f32 v32, v27;
	v21 =	vadd.f32 $9.620558020e-01, v21  }
0x226: {  	v11 =	vmul.f32 v11, v35;
	v17 =	vadd.f32 $9.620558020e-01, v17;
	v28 =	vmul.f32 v28, v29  }
0x227: {  	v26 =	vmul.f32 v26, v33;
	v21 =	vmul.f32 v21, v30;
	v30 =	vadd.f32 $9.620558020e-01, v32  }
0x228: {  	v11 =	vadd.f32 $2.885387900e+00, v11;
	v28 =	vadd.f32 $9.620558020e-01, v28;
	(erf) = vpow2.f32 v23  }
0x229: {  	v32 =	vmul.f32 v17, v19;
	v19 =	vadd.f32 $2.885387900e+00, v21;
	v21 =	vadd.f32 $2.885387900e+00, v26  }
0x22a: {  	v23 =	vmul.f32 v30, v27;
	v26 =	vmul.f32 v28, v29  }
0x22b: {  	v11 =	vmul.f32 v11, v34;
	v27 =	vadd.f32 $2.885387900e+00, v32;
	v19 =	vmul.f32 v19, v22  }
0x22c: {  	v21 =	vmul.f32 v21, v24;
	v22 =	vadd.f32 $2.885387900e+00, v23;
	v23 =	vadd.f32 $2.885387900e+00, v26;
	v17 =	vpop (erf)  }
.Ltmp0:
0x22d: {  	v13 =	vcvt.s32.f32 v13;
	v24 =	vmul.f32 v17, v8;
	(pc) =	sbr.rel @p0 .LBB2_2-.Ltmp0, $4  }
0x22e: {  	v28 =	vcvt.s32.f32 v15;
	v26 =	vcvt.s32.f32 v14  }
0x22f: {  	v14 =	vmul.f32 v27, v20;
	v17 =	vsub.f32 v13, v11;
	v8 =	vmul.f32 v22, v18;
	[tilespmem:s21+$0x3030] =	vst v24  }
0x230: {  	v15 =	vsub.f32 v26, v19;
	v18 =	vsub.f32 v28, v21;
	v11 =	vmul.f32 v23, v25  }
0x231: {  	v19 =	vcvt.s32.f32 v16;
	v16 =	vcvt.s32.f32 v31;
	v13 =	vpop (erf)  }
0x232: {  	_ = 	snop  }
0x233: {  	v17 =	vmul.f32 v17, v17;
	v14 =	vsub.f32 v19, v14;
	_ =	sdelay $0x1  }
0x234: {  	v9 =	vmul.f32 v17, v9;
	v14 =	vmul.f32 v14, v14  }
0x235: {  	v12 =	vcvt.s32.f32 v12;
	v15 =	vmul.f32 v15, v15;
	v8 =	vsub.f32 v16, v8  }
0x236: {  	v18 =	vmul.f32 v18, v18;
	(erf) = vrcp.f32 v5;
	v9 =	vadd.f32 v9, v14  }
0x237: {  	v11 =	vsub.f32 v12, v11;
	v10 =	vmul.f32 v15, v10;
	v8 =	vmul.f32 v8, v8  }
0x238: {  	(erf) = vrcp.f32 v9  }
0x239: {  	v12 =	vmul.f32 v18, v13;
	v11 =	vmul.f32 v11, v11;
	v5 =	vadd.f32 v10, v8;
	_ =	sdelay $0x1  }
0x23a: {  	v9 =	vadd.f32 v12, v11;
	(erf) = vrcp.f32 v5;
	_ =	sdelay $0x1  }
0x23b: {  	v1 =	vmul.f32 v6, v1;
	(erf) = vrcp.f32 v9;
	_ =	sdelay $0x2  }
0x23c: {  	v2 =	vmul.f32 v7, v2;
	v5 =	vpop (erf)  }
0x23d: {  	[tilespmem:s20+$0x3000] =	vst v1;
	v1 =	vpop (erf)  }
0x23e: {  	v1 =	vmul.f32 v1, v14  }
0x23f: {  	v0 =	vmul.f32 v4, v0  }
0x240: {  	[tilespmem:s20+$0x3010] =	vst v2;
	v2 =	vpop (erf)  }
0x241: {  	[tilespmem:s19+$0x3020] =	vst v0;
	v0 =	vmul.f32 v2, v8  }
0x242: {  	v2 =	vmul.f32 v5, v3;
	[tilespmem:s21+$0x3000] =	vst v1;
	v1 =	vpop (erf)  }
0x243: {  	[tilespmem:s21+$0x3010] =	vst v0;
	v0 =	vmul.f32 v1, v11  }
0x244: {  	[tilespmem:s20+$0x3020] =	vst v2  }
0x245: {  	s29 =	simm.s32 $0x3000;
	s19 =	simm.s32 $0x0;
	[tilespmem:s21+$0x3020] =	vst v0  }
0x246: {  	[hbm4b:s9+s19] =	stream.linear.scatter [tilespmem:s29], [sflag:$0x3], $0x80, $0x38;
	[tilespmem:$0x4000] =	vst v63  }
0x247: {  	s30 =	sadd.s32 $0x10, s9;
	s31 =	simm.s32 $0x3100  }
0x248: {  	[hbm4b:s30+s19] =	stream.linear.scatter [tilespmem:s31], [sflag:$0x3], $0x80, $0x38;
	[tilespmem:$0x4000] =	vst v63  }
0x249: {  	s22 =	simm.s32 $0x3200;
	s21 =	sadd.s32 $0x20, s9  }
0x24a: {  	[hbm4b:s21+s19] =	stream.linear.scatter [tilespmem:s22], [sflag:$0x3], $0x80, $0x38;
	[tilespmem:$0x4000] =	vst v63  }
0x24b: {  	s23 =	sadd.s32 $0x30, s9;
	s24 =	simm.s32 $0x3300  }
0x24c: {  	[hbm4b:s23+s19] =	stream.linear.scatter [tilespmem:s24], [sflag:$0x3], $0x80, $0x38;
	[tilespmem:$0x4000] =	vst v63  }
0x24d: {  	s25 =	sadd.s32 $0x40, s9;
	s26 =	simm.s32 $0x3400  }
0x24e: {  	[hbm4b:s25+s19] =	stream.linear.scatter [tilespmem:s26], [sflag:$0x3], $0x80, $0x38;
	[tilespmem:$0x4000] =	vst v63  }
0x24f: {  	s28 =	sadd.s32 $0x50, s9;
	s29 =	simm.s32 $0x3500  }
0x250: {  	[hbm4b:s28+s19] =	stream.linear.scatter [tilespmem:s29], [sflag:$0x3], $0x80, $0x38;
	[tilespmem:$0x4000] =	vst v63  }
0x251: {  	s30 =	sadd.s32 $0x60, s9;
	s31 =	simm.s32 $0x3600  }
0x252: {  	[hbm4b:s30+s19] =	stream.linear.scatter [tilespmem:s31], [sflag:$0x3], $0x80, $0x38;
	[tilespmem:$0x4000] =	vst v63  }
0x253: {  	s21 =	sadd.s32 $0x70, s9;
	s22 =	simm.s32 $0x3700  }
0x254: {  	[hbm4b:s21+s19] =	stream.linear.scatter [tilespmem:s22], [sflag:$0x3], $0x80, $0x38;
	[tilespmem:$0x4000] =	vst v63  }
0x255: {  	s23 =	sadd.s32 $0x80, s9;
	s24 =	simm.s32 $0x3800  }
0x256: {  	[hbm4b:s23+s19] =	stream.linear.scatter [tilespmem:s24], [sflag:$0x3], $0x80, $0x38;
	[tilespmem:$0x4000] =	vst v63  }
0x257: {  	s25 =	sadd.s32 $0x90, s9;
	s26 =	simm.s32 $0x3900  }
0x258: {  	[hbm4b:s25+s19] =	stream.linear.scatter [tilespmem:s26], [sflag:$0x3], $0x80, $0x38;
	[tilespmem:$0x4000] =	vst v63  }
0x259: {  	s28 =	sadd.s32 $0xA0, s9;
	s29 =	simm.s32 $0x3A00  }
0x25a: {  	[hbm4b:s28+s19] =	stream.linear.scatter [tilespmem:s29], [sflag:$0x3], $0x80, $0x38;
	[tilespmem:$0x4000] =	vst v63  }
0x25b: {  	s30 =	sadd.s32 $0xB0, s9;
	s31 =	simm.s32 $0x3B00  }
0x25c: {  	[hbm4b:s30+s19] =	stream.linear.scatter [tilespmem:s31], [sflag:$0x3], $0x80, $0x38;
	[tilespmem:$0x4000] =	vst v63  }
0x25d: {  	s22 =	sadd.s32 $0xC0, s9;
	s23 =	simm.s32 $0x3C00  }
0x25e: {  	[hbm4b:s22+s19] =	stream.linear.scatter [tilespmem:s23], [sflag:$0x3], $0x80, $0x38;
	[tilespmem:$0x4000] =	vst v63  }
0x25f: {  	s24 =	sadd.s32 $0xD0, s9;
	s25 =	simm.s32 $0x3D00  }
0x260: {  	[hbm4b:s24+s19] =	stream.linear.scatter [tilespmem:s25], [sflag:$0x3], $0x80, $0x38;
	[tilespmem:$0x4000] =	vst v63  }
0x261: {  	s26 =	sadd.s32 $0xE0, s9;
	s28 =	simm.s32 $0x3E00  }
0x262: {  	[hbm4b:s26+s19] =	stream.linear.scatter [tilespmem:s28], [sflag:$0x3], $0x80, $0x38;
	[tilespmem:$0x4000] =	vst v63  }
0x263: {  	s29 =	sadd.s32 $0xF0, s9;
	s30 =	simm.s32 $0x3F00  }
0x264: {  	[hbm4b:s29+s19] =	stream.linear.scatter [tilespmem:s30], [sflag:$0x3], $0x80, $0x38;
	[tilespmem:$0x4000] =	vst v63  }
0x265: {  	_ =	swait.ge [sflag:s15], $0x800  }
0x266: {  	[sflag:s15] =	ssyncset.done $0x0  }
0x267: {  	[sflag:s15] =	ssyncadd.s32 $0xFFFFF800  }
0x268: {  	_ =	swait.ge [sflag:s15], $0x800  }
0x269: {  	p0 =	por $0x0, $0x0;
	s19 =	simm.s32 $0x1;
	[sflag:s15] =	ssyncset.done $0x0  }
0x26a: {  	s19 =	simm.s32 @!p0 $0x0;
	[sflag:s15] =	ssyncadd.s32 $0xFFFFF800  }
0x26b: {  	s19 =	sshll.u32 s19, $0x6;
	_ =	swait.ge [sflag:s15], $0x800  }
0x26c: {  	s31 =	sadd.s32 $0x0, s19;
	[sflag:s15] =	ssyncset.done $0x0  }
0x26d: {  	s25 =	sor.u32 $0x90, s31;
	[sflag:s15] =	ssyncadd.s32 $0xFFFFF800  }
0x26e: {  	v2 =	vld [tilespmem:s25+$0x1000]  }
0x26f: {  	v3 =	vld [tilespmem:s25+$0x2000];
	_ =	sdelay $0x1  }
0x270: {  	s19 =	sor.u32 $0xB0, s31  }
0x271: {  	v0 =	vld [tilespmem:s19+$0x0]  }
0x272: {  	s26 =	sor.u32 $0xA0, s31;
	v5 =	vld [tilespmem:s25+$0x0]  }
0x273: {  	v7 =	vld [tilespmem:s26+$0x2000];
	v1 =	vand.u32 $0x7FFFFF, v2;
	v4 =	vand.u32 $0x7FFFFF, v3  }
0x274: {  	v10 =	vld [tilespmem:s26+$0x1000];
	v6 =	vor.u32 $0x3F800000, v1;
	v4 =	vor.u32 $0x3F800000, v4  }
0x275: {  	v12 =	vld [tilespmem:s19+$0x2000];
	v8 =	vadd.f32 $1.000000000e+00, v6;
	v9 =	vadd.f32 $1.000000000e+00, v4  }
0x276: {  	v13 =	vld [tilespmem:s19+$0x1000]  }
0x277: {  	v21 =	vld [tilespmem:s26+$0x0];
	v1 =	vmul.f32 v9, v8  }
0x278: {  	v0 =	vmul.f32 $4.000000000e+00, v0  }
0x279: {  	s20 =	sor.u32 $0x80, s31;
	v5 =	vmul.f32 $4.000000000e+00, v5;
	(erf) = vrcp.f32 v1  }
0x27a: {  	v14 =	vand.u32 $0x7FFFFF, v7;
	v15 =	vand.u32 $0x7FFFFF, v10;
	v19 =	vand.u32 $0x7FFFFF, v12;
	v1 =	vld [tilespmem:s20+$0x1000]  }
0x27b: {  	v11 =	vld [tilespmem:s20+$0x2000];
	v12 =	vshrl.u32 v12, $0x17;
	v20 =	vand.u32 $0x7FFFFF, v13;
	v3 =	vshrl.u32 v3, $0x17  }
0x27c: {  	v21 =	vmul.f32 $4.000000000e+00, v21;
	v7 =	vshrl.u32 v7, $0x17;
	v14 =	vor.u32 $0x3F800000, v14  }
0x27d: {  	v15 =	vor.u32 $0x3F800000, v15;
	v19 =	vor.u32 $0x3F800000, v19;
	v0 =	vsub.f32 $2.000000000e+00, v0  }
0x27e: {  	v20 =	vor.u32 $0x3F800000, v20;
	v17 =	vadd.f32 $1.000000000e+00, v14;
	v18 =	vadd.f32 $1.000000000e+00, v15  }
0x27f: {  	v24 =	vadd.f32 $1.000000000e+00, v19;
	v25 =	vadd.f32 $1.000000000e+00, v20;
	v23 =	vand.u32 $0x7FFFFF, v1  }
0x280: {  	v16 =	vmul.f32 $1.442695020e+00, v0;
	v0 =	vand.u32 $0x7FFFFF, v11;
	v22 =	vmul.f32 v17, v18  }
0x281: {  	v10 =	vshrl.u32 v10, $0x17;
	v2 =	vshrl.u32 v2, $0x17;
	v26 =	vor.u32 $0x3F800000, v0  }
0x282: {  	(erf) = vrcp.f32 v22;
	v22 =	vmul.f32 v24, v25;
	v0 =	vor.u32 $0x3F800000, v23;
	v23 =	vpop (erf)  }
0x283: {  	v6 =	vadd.f32 $-1.000000000e+00, v6;
	v4 =	vadd.f32 $-1.000000000e+00, v4;
	v9 =	vmul.f32 v23, v9  }
0x284: {  	(erf) = vrcp.f32 v22;
	v27 =	vadd.f32 $1.000000000e+00, v0;
	v8 =	vmul.f32 v23, v8  }
0x285: {  	v6 =	vmul.f32 v9, v6;
	v9 =	vsub.f32 $2.000000000e+00, v21;
	v21 =	vadd.f32 $1.000000000e+00, v26  }
0x286: {  	v13 =	vshrl.u32 v13, $0x17;
	v12 =	vsub.s32 $0x7F, v12;
	v4 =	vmul.f32 v8, v4  }
0x287: {  	v10 =	vsub.s32 $0x7F, v10;
	v8 =	vmul.f32 v6, v6;
	v22 =	vmul.f32 v21, v27  }
0x288: {  	v3 =	vsub.s32 $0x7F, v3;
	v7 =	vsub.s32 $0x7F, v7;
	v10 =	vcvt.s32.f32 v10  }
0x289: {  	v2 =	vsub.s32 $0x7F, v2;
	v23 =	vmul.f32 v4, v4;
	v28 =	vmul.f32 $5.052695270e-01, v8  }
0x28a: {  	v15 =	vadd.f32 $-1.000000000e+00, v15;
	v2 =	vcvt.s32.f32 v2;
	v9 =	vmul.f32 $1.442695020e+00, v9  }
0x28b: {  	(erf) = vrcp.f32 v22;
	v29 =	vmul.f32 $5.052695270e-01, v23;
	v22 =	vpop (erf);
	v28 =	vadd.f32 $5.689185860e-01, v28  }
0x28c: {  	v14 =	vadd.f32 $-1.000000000e+00, v14;
	(erf) = vpow2.f32 v9;
	v17 =	vmul.f32 v22, v17  }
0x28d: {  	v9 =	vmul.f32 v22, v18;
	v18 =	vadd.f32 $-1.000000000e+00, v19;
	v19 =	vpop (erf);
	v22 =	vmul.f32 v28, v8  }
0x28e: {  	v25 =	vmul.f32 v19, v25;
	v15 =	vmul.f32 v17, v15;
	v17 =	vadd.f32 $5.689185860e-01, v29  }
0x28f: {  	v19 =	vmul.f32 v19, v24;
	v9 =	vmul.f32 v9, v14;
	v22 =	vadd.f32 $9.620558020e-01, v22  }
0x290: {  	v13 =	vsub.s32 $0x7F, v13;
	v24 =	vmul.f32 v15, v15;
	v17 =	vmul.f32 v17, v23  }
0x291: {  	v20 =	vadd.f32 $-1.000000000e+00, v20;
	v3 =	vcvt.s32.f32 v3;
	v8 =	vmul.f32 v22, v8  }
0x292: {  	v22 =	vmul.f32 v9, v9;
	v14 =	vmul.f32 $5.052695270e-01, v24;
	v17 =	vadd.f32 $9.620558020e-01, v17  }
0x293: {  	v12 =	vcvt.s32.f32 v12;
	v11 =	vshrl.u32 v11, $0x17;
	v8 =	vadd.f32 $2.885387900e+00, v8  }
0x294: {  	v14 =	vadd.f32 $5.689185860e-01, v14;
	v17 =	vmul.f32 v17, v23;
	v23 =	vmul.f32 $5.052695270e-01, v22  }
0x295: {  	v13 =	vcvt.s32.f32 v13;
	v7 =	vcvt.s32.f32 v7;
	v11 =	vsub.s32 $0x7F, v11  }
0x296: {  	v6 =	vmul.f32 v8, v6;
	v8 =	vmul.f32 v14, v24;
	v14 =	vadd.f32 $5.689185860e-01, v23  }
0x297: {  	v5 =	vsub.f32 $2.000000000e+00, v5;
	v11 =	vcvt.s32.f32 v11;
	v18 =	vmul.f32 v25, v18  }
0x298: {  	v2 =	vsub.f32 v2, v6;
	v6 =	vadd.f32 $9.620558020e-01, v8;
	v14 =	vmul.f32 v14, v22  }
0x299: {  	v19 =	vmul.f32 v19, v20;
	v8 =	vadd.f32 $2.885387900e+00, v17;
	v17 =	vmul.f32 $1.442695020e+00, v5  }
0x29a: {  	v5 =	vmul.f32 v2, v2;
	v2 =	vmul.f32 v6, v24;
	v6 =	vadd.f32 $9.620558020e-01, v14  }
0x29b: {  	v25 =	vmul.f32 v18, v18;
	v20 =	vmul.f32 v19, v19  }
0x29c: {  	(erf) = vpow2.f32 v17;
	v14 =	vld [tilespmem:s20+$0x0];
	v2 =	vadd.f32 $2.885387900e+00, v2;
	v6 =	vmul.f32 v6, v22  }
0x29d: {  	v4 =	vmul.f32 v8, v4;
	v8 =	vadd.f32 $-1.000000000e+00, v26;
	v22 =	vmul.f32 $5.052695270e-01, v25  }
0x29e: {  	v17 =	vpop (erf);
	v2 =	vmul.f32 v2, v15;
	v6 =	vadd.f32 $2.885387900e+00, v6;
	v15 =	vmul.f32 $5.052695270e-01, v20  }
0x29f: {  	s21 =	simm.s32 $0x1;
	p0 =	por !p0, !p0;
	(erf) = vpow2.f32 v16;
	v21 =	vmul.f32 v17, v21;
	v16 =	vadd.f32 $5.689185860e-01, v22  }
0x2a0: {  	s21 =	simm.s32 @!p0 $0x0;
	v22 =	vsub.f32 v3, v4;
	v6 =	vmul.f32 v6, v9;
	v9 =	vadd.f32 $5.689185860e-01, v15  }
0x2a1: {  	s21 =	sshll.u32 s21, $0x6;
	v15 =	vmul.f32 v17, v27;
	v2 =	vsub.f32 v10, v2;
	v10 =	vmul.f32 $4.000000000e+00, v14  }
0x2a2: {  	s24 =	sadd.s32 $0x80, s21;
	v14 =	vmul.f32 v16, v25;
	v22 =	vmul.f32 v22, v22;
	v6 =	vsub.f32 v7, v6  }
0x2a3: {  	s21 =	sor.u32 $0xB0, s24;
	v1 =	vshrl.u32 v1, $0x17;
	v7 =	vmul.f32 v9, v20;
	v8 =	vmul.f32 v15, v8  }
0x2a4: {  	v2 =	vmul.f32 v2, v2;
	v9 =	vld [tilespmem:s21+$0x0];
	v14 =	vadd.f32 $9.620558020e-01, v14;
	v16 =	vmul.f32 v6, v6  }
0x2a5: {  	s22 =	sor.u32 $0x90, s24;
	v15 =	vpop (erf);
	v6 =	vadd.f32 $9.620558020e-01, v7;
	v7 =	vsub.s32 $0x7F, v1;
	v17 =	vmul.f32 v8, v8  }
0x2a6: {  	v3 =	vmul.f32 v14, v25;
	v25 =	vadd.f32 $-1.000000000e+00, v0;
	v1 =	vmul.f32 v2, v15;
	v2 =	vld [tilespmem:s22+$0x0]  }
0x2a7: {  	v23 =	vld [tilespmem:s22+$0x1000];
	v10 =	vsub.f32 $2.000000000e+00, v10;
	v7 =	vcvt.s32.f32 v7;
	v4 =	vmul.f32 v6, v20  }
0x2a8: {  	v42 =	vpop (erf);
	v6 =	vmul.f32 $5.052695270e-01, v17;
	v3 =	vadd.f32 $2.885387900e+00, v3;
	v21 =	vmul.f32 v21, v25  }
0x2a9: {  	s23 =	sor.u32 $0x80, s24;
	v5 =	vmul.f32 v5, v42;
	v1 =	vadd.f32 v1, v16;
	v9 =	vmul.f32 $4.000000000e+00, v9  }
0x2aa: {  	v20 =	vld [tilespmem:s23+$0x2000];
	v4 =	vadd.f32 $2.885387900e+00, v4;
	v3 =	vmul.f32 v3, v18;
	v41 =	vmul.f32 v21, v21  }
0x2ab: {  	v0 =	vadd.f32 $5.689185860e-01, v6;
	v6 =	vld [tilespmem:s23+$0x1000];
	(erf) = vrcp.f32 v1;
	v15 =	vmul.f32 $4.000000000e+00, v2  }
0x2ac: {  	v1 =	vld [tilespmem:s21+$0x2000];
	v2 =	vsub.f32 $2.000000000e+00, v9;
	v9 =	vmul.f32 $1.442695020e+00, v10;
	v10 =	vand.u32 $0x7FFFFF, v23  }
0x2ad: {  	s24 =	sor.u32 $0xA0, s24;
	v24 =	vld [tilespmem:s22+$0x2000];
	v26 =	vmul.f32 v0, v17;
	v0 =	vsub.f32 v12, v3;
	v4 =	vmul.f32 v4, v19  }
0x2ae: {  	v18 =	vld [tilespmem:s24+$0x2000];
	v49 =	vmul.f32 $5.052695270e-01, v41;
	v10 =	vor.u32 $0x3F800000, v10;
	v14 =	vmul.f32 $1.442695020e+00, v2  }
0x2af: {  	v3 =	vld [tilespmem:s24+$0x1000];
	(erf) = vpow2.f32 v9;
	v2 =	vand.u32 $0x7FFFFF, v20;
	v27 =	vadd.f32 $1.000000000e+00, v10  }
0x2b0: {  	v0 =	vmul.f32 v0, v0;
	v26 =	vadd.f32 $9.620558020e-01, v26;
	v15 =	vsub.f32 $2.000000000e+00, v15  }
0x2b1: {  	v48 =	vadd.f32 $-1.000000000e+00, v10;
	v19 =	vand.u32 $0x7FFFFF, v6;
	v9 =	vand.u32 $0x7FFFFF, v1  }
0x2b2: {  	v1 =	vshrl.u32 v1, $0x17;
	v17 =	vmul.f32 v26, v17;
	v15 =	vmul.f32 $1.442695020e+00, v15  }
0x2b3: {  	v61 =	vor.u32 $0x3F800000, v9;
	v12 =	vsub.s32 $0x7F, v1;
	v1 =	vor.u32 $0x3F800000, v2  }
0x2b4: {  	v2 =	vand.u32 $0x7FFFFF, v18;
	v9 =	vand.u32 $0x7FFFFF, v24;
	v30 =	vand.u32 $0x7FFFFF, v3  }
0x2b5: {  	v35 =	vshrl.u32 v3, $0x17;
	v31 =	vor.u32 $0x3F800000, v2;
	v33 =	vor.u32 $0x3F800000, v9  }
0x2b6: {  	v62 =	vld [tilespmem:s24+$0x0];
	v32 =	vadd.f32 $1.000000000e+00, v61;
	v2 =	vor.u32 $0x3F800000, v19;
	v19 =	vadd.f32 $1.000000000e+00, v33  }
0x2b7: {  	v9 =	vshrl.u32 v24, $0x17;
	v24 =	vld [tilespmem:s21+$0x1000];
	v39 =	vadd.f32 $1.000000000e+00, v1;
	v17 =	vadd.f32 $2.885387900e+00, v17  }
0x2b8: {  	v34 =	vsub.s32 $0x7F, v9;
	v9 =	vshrl.u32 v18, $0x17;
	v36 =	vmul.f32 v19, v27  }
0x2b9: {  	v18 =	vor.u32 $0x3F800000, v30;
	v63 =	vadd.f32 $1.000000000e+00, v31;
	v3 =	vsub.s32 $0x7F, v9  }
0x2ba: {  	v9 =	vsub.f32 v13, v4;
	v4 =	vadd.f32 $1.000000000e+00, v2;
	(erf) = vrcp.f32 v36  }
0x2bb: {  	v13 =	vmul.f32 $4.000000000e+00, v62;
	v45 =	vadd.f32 $1.000000000e+00, v18;
	v8 =	vmul.f32 v17, v8  }
0x2bc: {  	v60 =	vcvt.s32.f32 v34;
	v46 =	vmul.f32 v9, v9;
	v37 =	vand.u32 $0x7FFFFF, v24  }
0x2bd: {  	v9 =	vsub.f32 $2.000000000e+00, v13;
	v47 =	vmul.f32 v63, v45;
	v13 =	vor.u32 $0x3F800000, v37  }
0x2be: {  	v10 =	vmul.f32 v39, v4;
	v8 =	vsub.f32 v11, v8;
	v38 =	vadd.f32 $1.000000000e+00, v13  }
0x2bf: {  	v24 =	vshrl.u32 v24, $0x17;
	v40 =	vmul.f32 $1.442695020e+00, v9;
	(erf) = vrcp.f32 v47  }
0x2c0: {  	v25 =	vsub.s32 $0x7F, v24;
	v9 =	vadd.f32 $-1.000000000e+00, v1;
	v1 =	vpop (erf);
	v24 =	vmul.f32 v32, v38  }
0x2c1: {  	v5 =	vadd.f32 v5, v22;
	v8 =	vmul.f32 v8, v8;
	v43 =	vpop (erf);
	v50 =	vmul.f32 v46, v1  }
0x2c2: {  	v26 =	vpop (erf);
	v52 =	vmul.f32 v43, v16;
	(erf) = vrcp.f32 v24;
	v24 =	vsub.s32 $0x7F, v35  }
0x2c3: {  	(erf) = vrcp.f32 v10;
	v10 =	vcvt.s32.f32 v24;
	v24 =	vadd.f32 $5.689185860e-01, v49;
	v51 =	vpop (erf)  }
0x2c4: {  	v20 =	vshrl.u32 v20, $0x17;
	(erf) = vpow2.f32 v40;
	v19 =	vmul.f32 v51, v19  }
0x2c5: {  	v1 =	vsub.s32 $0x7F, v20;
	v20 =	vmul.f32 v24, v41;
	(erf) = vrcp.f32 v5  }
0x2c6: {  	v24 =	vadd.f32 $-1.000000000e+00, v33;
	v27 =	vmul.f32 v51, v27;
	v19 =	vmul.f32 v19, v48  }
0x2c7: {  	v28 =	vadd.f32 $-1.000000000e+00, v61;
	(erf) = vpow2.f32 v15;
	v15 =	vcvt.s32.f32 v25  }
0x2c8: {  	v17 =	vpop (erf);
	v20 =	vadd.f32 $9.620558020e-01, v20;
	v16 =	vmul.f32 v27, v24;
	v27 =	vmul.f32 v19, v19  }
0x2c9: {  	v11 =	vadd.f32 $-1.000000000e+00, v18;
	v24 =	vmul.f32 v17, v45;
	v17 =	vmul.f32 v17, v63  }
0x2ca: {  	v31 =	vadd.f32 $-1.000000000e+00, v31;
	v20 =	vmul.f32 v20, v41;
	v54 =	vmul.f32 $5.052695270e-01, v27  }
0x2cb: {  	v13 =	vadd.f32 $-1.000000000e+00, v13;
	v18 =	vmul.f32 v16, v16;
	v57 =	vmul.f32 v17, v11  }
0x2cc: {  	v11 =	vshrl.u32 v23, $0x17;
	v24 =	vmul.f32 v24, v31;
	v53 =	vpop (erf);
	v36 =	vadd.f32 $5.689185860e-01, v54  }
0x2cd: {  	v20 =	vadd.f32 $2.885387900e+00, v20;
	v55 =	vmul.f32 $5.052695270e-01, v18;
	v56 =	vmul.f32 v53, v38  }
0x2ce: {  	v11 =	vsub.s32 $0x7F, v11;
	v29 =	vmul.f32 v53, v32;
	v23 =	vmul.f32 v36, v27  }
0x2cf: {  	v58 =	vmul.f32 v57, v57;
	v20 =	vmul.f32 v20, v21;
	v17 =	vadd.f32 $5.689185860e-01, v55  }
0x2d0: {  	v59 =	vcvt.s32.f32 v11;
	v61 =	vmul.f32 v24, v24;
	v5 =	vadd.f32 $9.620558020e-01, v23  }
0x2d1: {  	v11 =	vmul.f32 v56, v28;
	v7 =	vsub.f32 v7, v20;
	v17 =	vmul.f32 v17, v18  }
0x2d2: {  	v23 =	vmul.f32 $5.052695270e-01, v58;
	v5 =	vmul.f32 v5, v27  }
0x2d3: {  	v13 =	vmul.f32 v29, v13;
	v7 =	vmul.f32 v7, v7;
	v27 =	vadd.f32 $9.620558020e-01, v17  }
0x2d4: {  	v21 =	vpop (erf);
	v20 =	vmul.f32 $5.052695270e-01, v61;
	v23 =	vadd.f32 $5.689185860e-01, v23;
	v5 =	vadd.f32 $2.885387900e+00, v5  }
0x2d5: {  	v7 =	vmul.f32 v7, v26;
	v27 =	vmul.f32 v27, v18;
	v18 =	vpop (erf)  }
0x2d6: {  	v20 =	vadd.f32 $5.689185860e-01, v20;
	v62 =	vpop (erf);
	v5 =	vmul.f32 v5, v19;
	v19 =	vmul.f32 v23, v58  }
0x2d7: {  	v7 =	vadd.f32 v7, v8;
	v26 =	vmul.f32 v62, v22;
	v22 =	vadd.f32 $2.885387900e+00, v27  }
0x2d8: {  	v20 =	vmul.f32 v20, v61;
	v17 =	vmul.f32 v11, v11;
	v19 =	vadd.f32 $9.620558020e-01, v19  }
0x2d9: {  	(erf) = vrcp.f32 v7;
	v23 =	vadd.f32 v50, v0;
	v63 =	vmul.f32 v22, v16  }
0x2da: {  	v5 =	vsub.f32 v59, v5;
	v16 =	vmul.f32 v13, v13;
	v27 =	vmul.f32 v19, v58  }
0x2db: {  	(erf) = vrcp.f32 v23;
	v19 =	vcvt.s32.f32 v12;
	v12 =	vadd.f32 $9.620558020e-01, v20  }
0x2dc: {  	v22 =	vmul.f32 v21, v39;
	(erf) = vpow2.f32 v14;
	v7 =	vadd.f32 $2.885387900e+00, v27  }
0x2dd: {  	v6 =	vshrl.u32 v6, $0x17;
	v5 =	vmul.f32 v5, v5;
	v25 =	vmul.f32 v12, v61  }
0x2de: {  	v6 =	vsub.s32 $0x7F, v6;
	[tilespmem:s26+$0x3000] =	vst v52;
	v20 =	vmul.f32 $5.052695270e-01, v17;
	v23 =	vmul.f32 v7, v57;
	v7 =	vld [tilespmem:s23+$0x0]  }
0x2df: {  	p0 =	por !p0, !p0;
	s26 =	simm.s32 $0x40;
	[tilespmem:s25+$0x3000] =	vst v26;
	s25 =	simm.s32 $0x80;
	v26 =	vmul.f32 $5.052695270e-01, v16;
	v12 =	vsub.f32 v60, v63;
	v25 =	vadd.f32 $2.885387900e+00, v25  }
.LBB2_4:
0x2e0: {  	s28 =	simm.s32 $0x1  }
0x2e1: {  	s26 =	sadd.s32 $0x40, s26;
	v4 =	vmul.f32 v21, v4;
	v3 =	vcvt.s32.f32 v3;
	v14 =	vadd.f32 $5.689185860e-01, v20;
	s28 =	simm.s32 @!p0 $0x0  }
0x2e2: {  	v10 =	vsub.f32 v10, v23;
	s25 =	sadd.s32 $0x80, s25;
	p1 =	slt.u32 s26, $0x7C0;
	v20 =	vmul.f32 v25, v24;
	v23 =	vadd.f32 $5.689185860e-01, v26;
	s28 =	sshll.u32 s28, $0x6  }
0x2e3: {  	v7 =	vmul.f32 $4.000000000e+00, v7;
	v25 =	vmul.f32 v14, v17;
	s29 =	sadd.s32 s28, s25;
	v21 =	vpop (erf)  }
0x2e4: {  	v10 =	vmul.f32 v10, v10;
	v3 =	vsub.f32 v3, v20;
	v26 =	vmul.f32 v23, v16;
	s30 =	sor.u32 $0x80, s29;
	s28 =	sor.u32 $0x90, s29;
	s31 =	sor.u32 $0xB0, s29  }
0x2e5: {  	v24 =	vmul.f32 v4, v9;
	v4 =	vsub.f32 $2.000000000e+00, v7;
	s29 =	sor.u32 $0xA0, s29;
	v9 =	vadd.f32 $9.620558020e-01, v25;
	v23 =	vld [tilespmem:s31+$0x0];
	v14 =	vpop (erf)  }
0x2e6: {  	v25 =	vmul.f32 v3, v3;
	v3 =	vmul.f32 v10, v18;
	v10 =	vadd.f32 $9.620558020e-01, v26;
	v7 =	vld [tilespmem:s30+$0x0]  }
0x2e7: {  	v28 =	vmul.f32 v24, v24;
	v9 =	vmul.f32 v9, v17;
	v18 =	vld [tilespmem:s28+$0x0];
	v20 =	vpop (erf)  }
0x2e8: {  	v8 =	vmul.f32 v14, v8;
	v3 =	vadd.f32 v3, v25;
	v10 =	vmul.f32 v10, v16;
	v17 =	vld [tilespmem:s28+$0x1000]  }
0x2e9: {  	v14 =	vmul.f32 $5.052695270e-01, v28;
	v9 =	vadd.f32 $2.885387900e+00, v9;
	v0 =	vmul.f32 v20, v0;
	v29 =	vld [tilespmem:s30+$0x2000];
	v30 =	vpop (erf)  }
0x2ea: {  	v10 =	vadd.f32 $2.885387900e+00, v10;
	v26 =	vld [tilespmem:s28+$0x2000];
	v23 =	vmul.f32 $4.000000000e+00, v23;
	(erf) = vrcp.f32 v3;
	[tilespmem:s20+$0x3000] =	vst v8;
	s20 =	smov.u32 s23;
	s23 =	smov.u32 s30  }
0x2eb: {  	v8 =	vadd.f32 $-1.000000000e+00, v2;
	v2 =	vadd.f32 $5.689185860e-01, v14;
	v9 =	vmul.f32 v9, v11;
	v3 =	vld [tilespmem:s31+$0x2000];
	[tilespmem:s19+$0x3000] =	vst v0;
	s19 =	smov.u32 s21;
	s21 =	smov.u32 s31  }
0x2ec: {  	v4 =	vmul.f32 $1.442695020e+00, v4;
	v16 =	vld [tilespmem:s23+$0x1000];
	v20 =	vmul.f32 $4.000000000e+00, v18;
	v0 =	vsub.f32 $2.000000000e+00, v23  }
0x2ed: {  	v31 =	vmul.f32 v2, v28;
	v2 =	vsub.f32 v19, v9;
	v11 =	vand.u32 $0x7FFFFF, v17;
	v18 =	vld [tilespmem:s29+$0x2000]  }
0x2ee: {  	v9 =	vor.u32 $0x3F800000, v11;
	v11 =	vld [tilespmem:s29+$0x1000];
	v14 =	vmul.f32 $1.442695020e+00, v0;
	(erf) = vpow2.f32 v4  }
0x2ef: {  	v4 =	vand.u32 $0x7FFFFF, v29;
	v0 =	vmul.f32 v2, v2;
	v32 =	vadd.f32 $1.000000000e+00, v9  }
0x2f0: {  	v10 =	vmul.f32 v10, v13;
	v2 =	vand.u32 $0x7FFFFF, v3;
	v3 =	vshrl.u32 v3, $0x17  }
0x2f1: {  	v13 =	vand.u32 $0x7FFFFF, v16;
	v33 =	vor.u32 $0x3F800000, v2;
	v19 =	vsub.s32 $0x7F, v3  }
0x2f2: {  	v34 =	vor.u32 $0x3F800000, v4;
	v3 =	vand.u32 $0x7FFFFF, v26;
	v2 =	vand.u32 $0x7FFFFF, v18  }
0x2f3: {  	v36 =	vadd.f32 $1.000000000e+00, v33;
	v23 =	vld [tilespmem:s29+$0x0];
	v4 =	vand.u32 $0x7FFFFF, v11;
	v35 =	vor.u32 $0x3F800000, v2;
	v37 =	vpop (erf)  }
0x2f4: {  	v2 =	vor.u32 $0x3F800000, v13;
	v13 =	vor.u32 $0x3F800000, v3;
	v3 =	vshrl.u32 v26, $0x17;
	v38 =	vld [tilespmem:s21+$0x1000]  }
0x2f5: {  	v39 =	vadd.f32 $1.000000000e+00, v13;
	v27 =	vsub.s32 $0x7F, v3;
	v3 =	vshrl.u32 v18, $0x17  }
0x2f6: {  	v11 =	vshrl.u32 v11, $0x17;
	v18 =	vor.u32 $0x3F800000, v4;
	v40 =	vadd.f32 $1.000000000e+00, v35  }
0x2f7: {  	v10 =	vsub.f32 v15, v10;
	v3 =	vsub.s32 $0x7F, v3;
	v41 =	vmul.f32 v39, v32;
	v26 =	vpop (erf)  }
0x2f8: {  	v4 =	vadd.f32 $1.000000000e+00, v2;
	v42 =	vadd.f32 $1.000000000e+00, v18;
	v15 =	vmul.f32 $4.000000000e+00, v23  }
0x2f9: {  	v23 =	vand.u32 $0x7FFFFF, v38;
	(erf) = vrcp.f32 v41;
	v41 =	vmul.f32 v10, v10  }
0x2fa: {  	v10 =	vsub.f32 $2.000000000e+00, v15;
	v43 =	vor.u32 $0x3F800000, v23;
	v15 =	vshrl.u32 v38, $0x17  }
0x2fb: {  	v38 =	vmul.f32 v40, v42;
	v44 =	vadd.f32 $1.000000000e+00, v43;
	v15 =	vsub.s32 $0x7F, v15  }
0x2fc: {  	v22 =	vmul.f32 v22, v8;
	v23 =	vadd.f32 $1.000000000e+00, v34;
	v45 =	vmul.f32 $1.442695020e+00, v10  }
0x2fd: {  	v8 =	vadd.f32 $-1.000000000e+00, v9;
	v10 =	vmul.f32 v36, v44;
	(erf) = vrcp.f32 v38  }
0x2fe: {  	v46 =	vmul.f32 v22, v22;
	v31 =	vadd.f32 $9.620558020e-01, v31;
	v38 =	vmul.f32 v23, v4  }
0x2ff: {  	v9 =	vadd.f32 $-1.000000000e+00, v34;
	v11 =	vsub.s32 $0x7F, v11;
	(erf) = vrcp.f32 v10  }
0x300: {  	v10 =	vshrl.u32 v29, $0x17;
	v29 =	vmul.f32 $5.052695270e-01, v46;
	(erf) = vrcp.f32 v38  }
0x301: {  	v34 =	vsub.s32 $0x7F, v10;
	v10 =	vcvt.s32.f32 v11;
	v11 =	vmul.f32 v31, v28  }
0x302: {  	v30 =	vmul.f32 v41, v30;
	v31 =	vcvt.s32.f32 v1;
	v29 =	vadd.f32 $5.689185860e-01, v29;
	v28 =	vpop (erf)  }
0x303: {  	v12 =	vmul.f32 v12, v12;
	v1 =	vmovc v34;
	v11 =	vadd.f32 $2.885387900e+00, v11;
	(erf) = vpow2.f32 v45  }
0x304: {  	v13 =	vadd.f32 $-1.000000000e+00, v13;
	v34 =	vmul.f32 v28, v39;
	v29 =	vmul.f32 v29, v46  }
0x305: {  	v30 =	vadd.f32 v30, v0;
	v28 =	vmul.f32 v28, v32;
	v11 =	vmul.f32 v11, v24  }
0x306: {  	v32 =	vmul.f32 v34, v8;
	v29 =	vadd.f32 $9.620558020e-01, v29;
	v8 =	vmul.f32 v37, v25;
	v24 =	vpop (erf)  }
0x307: {  	v25 =	vmul.f32 v28, v13;
	v11 =	vsub.f32 v31, v11;
	v13 =	vmul.f32 v24, v42  }
0x308: {  	v5 =	vmul.f32 v5, v21;
	v18 =	vadd.f32 $-1.000000000e+00, v18;
	v28 =	vmul.f32 v32, v32;
	v31 =	vpop (erf);
	[tilespmem:s24+$0x3000] =	vst v8;
	s24 =	smov.u32 s29  }
0x309: {  	v37 =	vadd.f32 $-1.000000000e+00, v43;
	v34 =	vmul.f32 v25, v25;
	v8 =	vmul.f32 v11, v11;
	v21 =	vpop (erf)  }
0x30a: {  	v33 =	vadd.f32 $-1.000000000e+00, v33;
	v24 =	vmul.f32 v24, v40;
	v11 =	vmul.f32 $5.052695270e-01, v28  }
0x30b: {  	v5 =	vadd.f32 v5, v12;
	v38 =	vmul.f32 $5.052695270e-01, v34;
	v39 =	vmul.f32 v31, v44  }
0x30c: {  	v40 =	vmul.f32 v24, v18;
	v31 =	vmul.f32 v31, v36;
	v11 =	vadd.f32 $5.689185860e-01, v11;
	v18 =	vpop (erf)  }
0x30d: {  	v17 =	vshrl.u32 v17, $0x17;
	v29 =	vmul.f32 v29, v46;
	v24 =	vadd.f32 $5.689185860e-01, v38  }
0x30e: {  	v17 =	vsub.s32 $0x7F, v17;
	v36 =	vmul.f32 v40, v40;
	v11 =	vmul.f32 v11, v28  }
0x30f: {  	v38 =	vcvt.s32.f32 v17;
	v17 =	vadd.f32 $-1.000000000e+00, v35;
	(erf) = vrcp.f32 v5  }
0x310: {  	v35 =	vmul.f32 v24, v34;
	v5 =	vadd.f32 $9.620558020e-01, v11;
	v11 =	vmul.f32 v39, v33  }
0x311: {  	v24 =	vmul.f32 v13, v17;
	v13 =	vadd.f32 $2.885387900e+00, v29;
	v33 =	vmul.f32 $5.052695270e-01, v36  }
0x312: {  	v5 =	vmul.f32 v5, v28;
	v28 =	vadd.f32 $9.620558020e-01, v35;
	v17 =	vmul.f32 v11, v11  }
0x313: {  	v6 =	vcvt.s32.f32 v6;
	v22 =	vmul.f32 v13, v22;
	v29 =	vadd.f32 $5.689185860e-01, v33  }
0x314: {  	v13 =	vmul.f32 v31, v37;
	v5 =	vadd.f32 $2.885387900e+00, v5;
	v28 =	vmul.f32 v28, v34  }
0x315: {  	v27 =	vcvt.s32.f32 v27;
	v31 =	vmul.f32 v24, v24;
	v6 =	vsub.f32 v6, v22  }
0x316: {  	v20 =	vsub.f32 $2.000000000e+00, v20;
	v22 =	vmul.f32 v29, v36;
	v5 =	vmul.f32 v5, v32  }
0x317: {  	v29 =	vmul.f32 $5.052695270e-01, v31;
	v6 =	vmul.f32 v6, v6;
	v28 =	vadd.f32 $2.885387900e+00, v28  }
0x318: {  	v20 =	vmul.f32 $1.442695020e+00, v20;
	v22 =	vadd.f32 $9.620558020e-01, v22;
	v5 =	vsub.f32 v38, v5;
	v32 =	vpop (erf)  }
0x319: {  	v29 =	vadd.f32 $5.689185860e-01, v29;
	v6 =	vmul.f32 v6, v26;
	v12 =	vmul.f32 v32, v12  }
0x31a: {  	v22 =	vmul.f32 v22, v36;
	v5 =	vmul.f32 v5, v5  }
0x31b: {  	v26 =	vmul.f32 v29, v31;
	v6 =	vadd.f32 v6, v8;
	(erf) = vpow2.f32 v20;
	[tilespmem:s22+$0x3000] =	vst v12;
	s22 =	smov.u32 s28  }
0x31c: {  	v19 =	vcvt.s32.f32 v19;
	v25 =	vmul.f32 v28, v25;
	v12 =	vshrl.u32 v16, $0x17  }
.Ltmp1:
0x31d: {  	v15 =	vcvt.s32.f32 v15;
	v26 =	vadd.f32 $9.620558020e-01, v26;
	(erf) = vrcp.f32 v6;
	(pc) =	sbr.rel @p1 .LBB2_4-.Ltmp1, $4  }
0x31e: {  	v28 =	vadd.f32 $2.885387900e+00, v22;
	v16 =	vmul.f32 v13, v13;
	v20 =	vmul.f32 $5.052695270e-01, v17  }
0x31f: {  	v26 =	vmul.f32 v26, v31;
	v6 =	vsub.s32 $0x7F, v12;
	(erf) = vrcp.f32 v30  }
0x320: {  	v22 =	vmul.f32 v21, v23;
	v23 =	vmul.f32 v28, v40;
	v12 =	vsub.f32 v27, v25  }
0x321: {  	p0 =	por !p0, !p0;
	v25 =	vadd.f32 $2.885387900e+00, v26;
	v26 =	vmul.f32 $5.052695270e-01, v16;
	(erf) = vpow2.f32 v14  }
0x322: {  	v2 =	vadd.f32 $-1.000000000e+00, v2;
	_ =	sdelay $0x1  }
0x323: {  	v4 =	vmul.f32 v21, v4;
	v2 =	vmul.f32 v22, v2;
	_ =	sdelay $0x1  }
0x324: {  	v4 =	vmul.f32 v4, v9;
	v38 =	vmul.f32 v2, v2  }
0x325: {  	v3 =	vcvt.s32.f32 v3;
	v10 =	vsub.f32 v10, v23;
	v14 =	vmul.f32 v25, v24  }
0x326: {  	v40 =	vmul.f32 v4, v4;
	v41 =	vmul.f32 $5.052695270e-01, v38  }
0x327: {  	v10 =	vmul.f32 v10, v10;
	v3 =	vsub.f32 v3, v14  }
0x328: {  	v7 =	vmul.f32 $4.000000000e+00, v7;
	v43 =	vmul.f32 $5.052695270e-01, v40;
	v23 =	vadd.f32 $5.689185860e-01, v41  }
0x329: {  	v39 =	vadd.f32 $5.689185860e-01, v26;
	v10 =	vmul.f32 v10, v18;
	v3 =	vmul.f32 v3, v3  }
0x32a: {  	v7 =	vsub.f32 $2.000000000e+00, v7;
	v44 =	vadd.f32 $5.689185860e-01, v43;
	v45 =	vmul.f32 v23, v38  }
0x32b: {  	v20 =	vadd.f32 $5.689185860e-01, v20;
	v42 =	vmul.f32 v39, v16;
	v10 =	vadd.f32 v10, v3  }
0x32c: {  	v7 =	vmul.f32 $1.442695020e+00, v7;
	v18 =	vmul.f32 v44, v40;
	v21 =	vadd.f32 $9.620558020e-01, v45  }
0x32d: {  	v20 =	vmul.f32 v20, v17;
	v14 =	vadd.f32 $9.620558020e-01, v42;
	(erf) = vrcp.f32 v10  }
0x32e: {  	(erf) = vpow2.f32 v7;
	v46 =	vadd.f32 $9.620558020e-01, v18;
	v9 =	vmul.f32 v21, v38  }
0x32f: {  	v47 =	vadd.f32 $9.620558020e-01, v20;
	v14 =	vmul.f32 v14, v16  }
0x330: {  	v7 =	vmul.f32 v46, v40;
	v9 =	vadd.f32 $2.885387900e+00, v9  }
0x331: {  	v14 =	vadd.f32 $2.885387900e+00, v14;
	v10 =	vmul.f32 v47, v17  }
0x332: {  	v6 =	vcvt.s32.f32 v6;
	v48 =	vpop (erf);
	v7 =	vadd.f32 $2.885387900e+00, v7;
	v2 =	vmul.f32 v9, v2  }
0x333: {  	v49 =	vpop (erf);
	v13 =	vmul.f32 v14, v13;
	v10 =	vadd.f32 $2.885387900e+00, v10  }
0x334: {  	v1 =	vcvt.s32.f32 v1;
	v50 =	vpop (erf);
	v4 =	vmul.f32 v7, v4;
	v2 =	vsub.f32 v6, v2  }
0x335: {  	v51 =	vpop (erf);
	v13 =	vsub.f32 v15, v13;
	v52 =	vmul.f32 v10, v11  }
0x336: {  	v12 =	vmul.f32 v12, v12;
	v53 =	vpop (erf);
	v1 =	vsub.f32 v1, v4;
	v2 =	vmul.f32 v2, v2  }
0x337: {  	v5 =	vmul.f32 v5, v48;
	v54 =	vmul.f32 v13, v13;
	v55 =	vsub.f32 v19, v52;
	v56 =	vpop (erf)  }
0x338: {  	v1 =	vmul.f32 v1, v1;
	v2 =	vmul.f32 v2, v56  }
0x339: {  	v5 =	vadd.f32 v5, v12;
	v4 =	vmul.f32 v55, v55;
	v6 =	vmul.f32 v54, v51  }
0x33a: {  	v2 =	vadd.f32 v2, v1  }
0x33b: {  	(erf) = vrcp.f32 v5;
	v6 =	vadd.f32 v6, v4  }
0x33c: {  	(erf) = vrcp.f32 v2  }
0x33d: {  	(erf) = vrcp.f32 v6;
	_ =	sdelay $0x4  }
0x33e: {  	v57 =	vmul.f32 v49, v8  }
0x33f: {  	v0 =	vmul.f32 v50, v0  }
0x340: {  	[tilespmem:s20+$0x3000] =	vst v57;
	v58 =	vmul.f32 v53, v3;
	v59 =	vpop (erf)  }
0x341: {  	[tilespmem:s19+$0x3000] =	vst v0;
	v60 =	vmul.f32 v59, v12;
	v61 =	vpop (erf)  }
0x342: {  	[tilespmem:s24+$0x3000] =	vst v58;
	v62 =	vpop (erf);
	v1 =	vmul.f32 v61, v1  }
0x343: {  	[tilespmem:s22+$0x3000] =	vst v60;
	v63 =	vmul.f32 v62, v4  }
0x344: {  	[tilespmem:s23+$0x3000] =	vst v1  }
0x345: {  	s20 =	simm.s32 $0x3080;
	[tilespmem:s21+$0x3000] =	vst v63  }
0x346: {  	[hbm4b:s10+s2] =	stream.linear.scatter [tilespmem:s20], [sflag:$0x4], $0x80, $0x38;
	[tilespmem:$0x4000] =	vst v63  }
0x347: {  	s22 =	simm.s32 $0x3180;
	s21 =	sadd.s32 $0x10, s10  }
0x348: {  	[hbm4b:s21+s2] =	stream.linear.scatter [tilespmem:s22], [sflag:$0x4], $0x80, $0x38;
	[tilespmem:$0x4000] =	vst v63  }
0x349: {  	s24 =	simm.s32 $0x3280;
	s23 =	sadd.s32 $0x20, s10  }
0x34a: {  	[hbm4b:s23+s2] =	stream.linear.scatter [tilespmem:s24], [sflag:$0x4], $0x80, $0x38;
	[tilespmem:$0x4000] =	vst v63  }
0x34b: {  	s25 =	sadd.s32 $0x30, s10;
	s26 =	simm.s32 $0x3380  }
0x34c: {  	[hbm4b:s25+s2] =	stream.linear.scatter [tilespmem:s26], [sflag:$0x4], $0x80, $0x38;
	[tilespmem:$0x4000] =	vst v63  }
0x34d: {  	s28 =	sadd.s32 $0x40, s10;
	s29 =	simm.s32 $0x3480  }
0x34e: {  	[hbm4b:s28+s2] =	stream.linear.scatter [tilespmem:s29], [sflag:$0x4], $0x80, $0x38;
	[tilespmem:$0x4000] =	vst v63  }
0x34f: {  	s30 =	sadd.s32 $0x50, s10;
	s31 =	simm.s32 $0x3580  }
0x350: {  	[hbm4b:s30+s2] =	stream.linear.scatter [tilespmem:s31], [sflag:$0x4], $0x80, $0x38;
	[tilespmem:$0x4000] =	vst v63  }
0x351: {  	s21 =	sadd.s32 $0x60, s10;
	s22 =	simm.s32 $0x3680  }
0x352: {  	[hbm4b:s21+s2] =	stream.linear.scatter [tilespmem:s22], [sflag:$0x4], $0x80, $0x38;
	[tilespmem:$0x4000] =	vst v63  }
0x353: {  	s23 =	sadd.s32 $0x70, s10;
	s24 =	simm.s32 $0x3780  }
0x354: {  	[hbm4b:s23+s2] =	stream.linear.scatter [tilespmem:s24], [sflag:$0x4], $0x80, $0x38;
	[tilespmem:$0x4000] =	vst v63  }
0x355: {  	s25 =	sadd.s32 $0x80, s10;
	s26 =	simm.s32 $0x3880  }
0x356: {  	[hbm4b:s25+s2] =	stream.linear.scatter [tilespmem:s26], [sflag:$0x4], $0x80, $0x38;
	[tilespmem:$0x4000] =	vst v63  }
0x357: {  	s28 =	sadd.s32 $0x90, s10;
	s29 =	simm.s32 $0x3980  }
0x358: {  	[hbm4b:s28+s2] =	stream.linear.scatter [tilespmem:s29], [sflag:$0x4], $0x80, $0x38;
	[tilespmem:$0x4000] =	vst v63  }
0x359: {  	s30 =	sadd.s32 $0xA0, s10;
	s31 =	simm.s32 $0x3A80  }
0x35a: {  	[hbm4b:s30+s2] =	stream.linear.scatter [tilespmem:s31], [sflag:$0x4], $0x80, $0x38;
	[tilespmem:$0x4000] =	vst v63  }
0x35b: {  	s20 =	sadd.s32 $0xB0, s10;
	s21 =	simm.s32 $0x3B80  }
0x35c: {  	[hbm4b:s20+s2] =	stream.linear.scatter [tilespmem:s21], [sflag:$0x4], $0x80, $0x38;
	[tilespmem:$0x4000] =	vst v63  }
0x35d: {  	s22 =	sadd.s32 $0xC0, s10;
	s23 =	simm.s32 $0x3C80  }
0x35e: {  	[hbm4b:s22+s2] =	stream.linear.scatter [tilespmem:s23], [sflag:$0x4], $0x80, $0x38;
	[tilespmem:$0x4000] =	vst v63  }
0x35f: {  	s24 =	sadd.s32 $0xD0, s10;
	s25 =	simm.s32 $0x3D80  }
0x360: {  	[hbm4b:s24+s2] =	stream.linear.scatter [tilespmem:s25], [sflag:$0x4], $0x80, $0x38;
	[tilespmem:$0x4000] =	vst v63  }
0x361: {  	s26 =	sadd.s32 $0xE0, s10;
	s28 =	simm.s32 $0x3E80  }
0x362: {  	[hbm4b:s26+s2] =	stream.linear.scatter [tilespmem:s28], [sflag:$0x4], $0x80, $0x38;
	[tilespmem:$0x4000] =	vst v63  }
0x363: {  	s29 =	sadd.s32 $0xF0, s10;
	s30 =	simm.s32 $0x3F80  }
0x364: {  	[hbm4b:s29+s2] =	stream.linear.scatter [tilespmem:s30], [sflag:$0x4], $0x80, $0x38;
	[tilespmem:$0x4000] =	vst v63  }
0x365: {  	_ =	swait.ge [sflag:s16], $0x800  }
0x366: {  	[sflag:s16] =	ssyncset.done $0x0  }
0x367: {  	[sflag:s16] =	ssyncadd.s32 $0xFFFFF800  }
0x368: {  	_ =	swait.ge [sflag:s17], $0x800  }
0x369: {  	s18 =	sadd.s32 $0x1, s18;
	s31 =	rddreg [dreg:$0x5]  }
0x36a: {  	p0 =	sne.s32 s18, s31  }
.Ltmp2:
0x36b: {  	_ = 	snop;
	(pc) =	sbr.rel @p0 .LBB2_1-.Ltmp2, $3  }
0x36c: {  	_ =	sdelay $0x1  }
0x36d: {  	[sflag:s17] =	ssyncset.done $0x0  }
0x36e: {  	[sflag:s17] =	ssyncadd.s32 $0xFFFFF800  }
0x36f: {  	_ =	sfence.sel $0x180000  }
0x370: {  	[bflag:$0x0] =	sbarrier.arrive $0xFFFF  }
0x371: {  	_ =	strace $0x90000047  }
0x372: {  	s0 =	stileid.u32;
	[bflag:$0x2] =	sbarrier.arrive $0xFFFF  }
0x373: {  	p0 =	sne.s32 s0, $0x0;
	s0 =	rddreg [dreg:$0x4]  }
0x374: {  	s0 =	sadd.s32 @!p0 $0x100000, s0  }
0x375: {  	[sflag:s0] =	ssyncadd.tile.s32 @!p0 $0x1;
	_ =	shalt  }
.Lfunc_end2:
_tile_overlayer_lowered:
.L_overlay_start_2:
0x376: {  	(tag) =	ssettag $0x2  }
0x377: {  	s0 =	rddreg [dreg:$0x0];
	s2 =	stileid.u32  }
0x378: {  	s1 =	rddreg [dreg:$0x1];
	p0 =	sne.s32 s2, $0x0  }
0x379: {  	s3 =	rddreg [dreg:$0x2];
	[bflag:$0x3] =	sbarrier.arrive $0xFFFF;
	s2 =	simm.s32 @!p0 $0x1C05  }
0x37a: {  	[timem:s3], [sflag:s2] =	dma.local @!p0 [hbm:s0], s1  }
0x37b: {  	s0 =	simm.s32 @!p0 $0x5  }
0x37c: {  	_ =	swait.ge @!p0 [sflag:s0], s1  }
0x37d: {  	s1 =	ssub.s32 @!p0 $0x0, s1;
	[sflag:s0] =	ssyncset.done @!p0 $0x0  }
0x37e: {  	[sflag:s0] =	ssyncadd.s32 @!p0 s1  }
0x37f: {  	[bflag:$0x3] =	sbarrier.arrive $0xFFFF  }
0x380: {  	_ =	shalt  }

</sc_bundles>
